<compile_context>
chip_gen: v7x
topology: tpu7x:2x2x1
jax: 0.10.2.dev20260603
libtpu: 0.0.44.dev20260713+nightly
codegen_flags: <defaults>
</compile_context>

<pallas_src>
import jax
import jax.numpy as jnp
from jax import lax
from jax.experimental import pallas as pl
from jax.experimental.pallas import tpu as pltpu
from jax.experimental.pallas import tpu_sc as plsc

L = 16
B, J, M, N, D = 32, 64, 128, 128, 11
MN = M * N
CH = 2
WORDS = CH * MN
NCHUNK = J // CH
GD = J * D
GD_PAD = 720


def _body(hm, pred_h, gt_h, out_h, buf_a, buf_b, pv, gv, res_v, sem_a, sem_b):
    w = lax.axis_index("c") * 16 + lax.axis_index("s")

    pltpu.sync_copy(pred_h.at[w], pv.at[pl.ds(0, GD)])
    pltpu.sync_copy(gt_h.at[w], gv.at[pl.ds(0, GD)])
    zeros = jnp.zeros((L,), jnp.float32)
    pv[pl.ds(GD, L)] = zeros
    gv[pl.ds(GD, L)] = zeros

    iota = lax.iota(jnp.int32, L)
    neg_inf = jnp.full((L,), -jnp.inf, jnp.float32)
    cls_mask = iota < 7

    def lane(v, c):
        return jnp.sum(jnp.where(iota == c, v, 0.0))

    def chunk_slice(c):
        return hm.at[w, pl.ds(c * WORDS, WORDS)]

    def process_obj(buf, off, j_obj, acc):
        def ibody(i, carry):
            vmax, vidx, vpos = carry
            v = buf[pl.ds(off + i * L, L)]
            m = v > vmax
            return (jnp.where(m, v, vmax),
                    jnp.where(m, vpos, vidx),
                    vpos + L)

        vmax, vidx, _ = lax.fori_loop(
            0, MN // L, ibody, (neg_inf, iota, iota), unroll=8)

        gmax = jnp.max(vmax)
        cand = jnp.where(vmax == gmax, vidx, jnp.int32(MN))
        flat = jnp.min(cand)
        xf = (flat >> 7).astype(jnp.float32)
        yf = (flat & 127).astype(jnp.float32)

        vg = gv[pl.ds(j_obj * D, L)]
        vp = pv[pl.ds(j_obj * D, L)]
        dd = vp - vg
        cls = jnp.sum(jnp.where(cls_mask, dd * dd, 0.0))
        g7 = lane(vg, 7)
        g8 = lane(vg, 8)
        g9 = lane(vg, 9)
        g10 = lane(vg, 10)
        t1 = g9 + g7 - xf - lane(vp, 7)
        t2 = g10 + g8 - yf - lane(vp, 8)
        conf = (1.0 - gmax) * (1.0 - gmax)
        valid = ((g9 > 0.0) & (g10 > 0.0)
                 & (g9 < float(M)) & (g10 < float(N)))
        per = jnp.where(valid, cls + t1 * t1 + t2 * t2 + conf, 0.0)
        return acc + per

    pltpu.async_copy(chunk_slice(0), buf_a, sem_a)

    def obody(c2, acc):
        c_a = 2 * c2
        c_b = c_a + 1
        pltpu.async_copy(chunk_slice(c_b), buf_b, sem_b)
        pltpu.make_async_copy(chunk_slice(c_a), buf_a, sem_a).wait()
        for k in range(CH):
            acc = process_obj(buf_a, k * MN, c_a * CH + k, acc)

        @pl.when(c2 < NCHUNK // 2 - 1)
        def _():
            pltpu.async_copy(chunk_slice(c_a + 2), buf_a, sem_a)

        pltpu.make_async_copy(chunk_slice(c_b), buf_b, sem_b).wait()
        for k in range(CH):
            acc = process_obj(buf_b, k * MN, c_b * CH + k, acc)
        return acc

    acc = lax.fori_loop(0, NCHUNK // 2, obody, jnp.float32(0.0))
    res_v[...] = jnp.full((L,), acc, jnp.float32)
    pltpu.sync_copy(res_v, out_h.at[w])


@jax.jit
def kernel(pred, gt, heatmap):
    hm2 = heatmap.reshape(B, J * MN)
    p2 = pred.reshape(B, GD)
    g2 = gt.reshape(B, GD)
    mesh = plsc.VectorSubcoreMesh(core_axis_name="c", subcore_axis_name="s")
    out = pl.kernel(
        _body,
        out_type=jax.ShapeDtypeStruct((B, L), jnp.float32),
        mesh=mesh,
        compiler_params=pltpu.CompilerParams(
            needs_layout_passes=False, use_tc_tiling_on_sc=False),
        scratch_types=[
            pltpu.VMEM((WORDS,), jnp.float32),
            pltpu.VMEM((WORDS,), jnp.float32),
            pltpu.VMEM((GD_PAD,), jnp.float32),
            pltpu.VMEM((GD_PAD,), jnp.float32),
            pltpu.VMEM((L,), jnp.float32),
            pltpu.SemaphoreType.DMA,
            pltpu.SemaphoreType.DMA,
        ],
    )(hm2, p2, g2)
    return out[:, 0]

# --- scband reference (transcript-rebuilt; emitter-appended) ---
"""Pipeline reference for scband-label-loss-15023795601462 (READ-ONLY COPY).

The authoritative reference and input builder live on the scoring server;
editing this copy changes nothing except your own understanding.
"""

import jax, jax.numpy as jnp
import numpy as np


def setup_inputs(seed: int = 0) -> dict:
    key = jax.random.key(seed)
    k1, k2, k3 = jax.random.split(key, 3)
    B, J, m, n, D = 32, 64, 128, 128, 11
    pred = jax.random.normal(k1, (B, J, D), dtype=jnp.float32)
    # gt values in (0,1): coords gt[...,9], gt[...,10] are > 0 and < m,n -> valid boxes
    gt = jax.random.uniform(k2, (B, J, D), dtype=jnp.float32)
    heatmap = jax.random.uniform(k3, (B, J, m, n), dtype=jnp.float32)
    return {"pred": pred, "gt": gt, "heatmap": heatmap}


def reference(pred, gt, heatmap):
    B, J, m, n = heatmap.shape
    pred = pred.reshape(B, J, -1)
    flat = heatmap.reshape(B, J, m * n)
    # index of max over flattened heatmap; original: x = int(index/m), y = index % m (m == n)
    index = jnp.argmax(flat, axis=-1)
    x = (index // m).astype(jnp.float32)
    y = (index % m).astype(jnp.float32)
    amax = jnp.max(flat, axis=-1)  # a[x, y] == max since index is argmax
    g7 = gt[..., 7]
    g8 = gt[..., 8]
    g9 = gt[..., 9]
    g10 = gt[..., 10]
    valid = (g9 > 0) & (g10 > 0) & (g9 < m) & (g10 < n)
    xy_loss = (g9 + g7 - x - pred[..., 7]) ** 2 + (g10 + g8 - y - pred[..., 8]) ** 2
    conf_loss = (1.0 - amax) ** 2
    class_loss = ((pred[..., 0:7] - gt[..., 0:7]) ** 2).sum(axis=-1)
    per_obj = jnp.where(valid, class_loss + xy_loss + conf_loss, 0.0)
    loss = per_obj.sum(axis=1)  # [B]
    return loss

if __name__ == "__main__":
    import jax
    _d = setup_inputs()
    print(jax.jit(kernel)(*tuple(_d.values())))

</pallas_src>

<mosaic_0001>
#map = affine_map<(d0, d1) -> (0, 0)>
module attributes {stable_mosaic.version = 14 : i64} {
  func.func @_body(%arg0: i32, %arg1: i32, %arg2: memref<32x1048576xf32, #tpu.memory_space<hbm>>, %arg3: memref<32x704xf32, #tpu.memory_space<hbm>>, %arg4: memref<32x704xf32, #tpu.memory_space<hbm>>, %arg5: memref<32x16xf32, #tpu.memory_space<hbm>>, %arg6: memref<32768xf32, #tpu.memory_space<vmem>>, %arg7: memref<32768xf32, #tpu.memory_space<vmem>>, %arg8: memref<720xf32, #tpu.memory_space<vmem>>, %arg9: memref<720xf32, #tpu.memory_space<vmem>>, %arg10: memref<16xf32, #tpu.memory_space<vmem>>, %arg11: memref<!tpu.dma_semaphore, #tpu.memory_space<semaphore_mem>>, %arg12: memref<!tpu.dma_semaphore, #tpu.memory_space<semaphore_mem>>) attributes {dimension_semantics = [#tpu.dimension_semantics<core_parallel>, #tpu.dimension_semantics<subcore_parallel>], iteration_bounds = array<i64: 2, 16>, scalar_prefetch = 0 : i64, scratch_operands = 7 : i64, tpu.core_type = #tpu.core_type<sc_vector_subcore>, window_params = [{transform_indices = #map}, {transform_indices = #map}, {transform_indices = #map}, {transform_indices = #map}]} {
    %mul3A = arith.constant 16 : i32
    %mul3A_0 = arith.muli %arg0, %mul3A : i32
    %add3A = arith.addi %mul3A_0, %arg1 : i32
    "tpu.region"() ({
      %run_scoped3A = tpu.sem_alloc : memref<!tpu.dma_semaphore, #tpu.memory_space<semaphore_mem>>
      %dma_start3A_23 = arith.constant 0 : i32
      %dma_start3A_24 = tpu.memref_slice %arg8[%dma_start3A_23] : memref<720xf32, #tpu.memory_space<vmem>> -> memref<704xf32, #tpu.memory_space<vmem>>
      %dma_start3A_25 = arith.constant 0 : i32
      %dma_start3A_26 = tpu.memref_slice %arg3[%add3A, %dma_start3A_25] : memref<32x704xf32, #tpu.memory_space<hbm>> -> memref<1x704xf32, #tpu.memory_space<hbm>>
      %dma_start3A_27 = tpu.memref_squeeze %dma_start3A_26 : memref<1x704xf32, #tpu.memory_space<hbm>> -> memref<704xf32, #tpu.memory_space<hbm>>
      %dma_start3A_28 = arith.constant 0 : i32
      %dma_start3A_29 = tpu.memref_slice %arg8[%dma_start3A_28] : memref<720xf32, #tpu.memory_space<vmem>> -> memref<704xf32, #tpu.memory_space<vmem>>
      %dma_start3A_30 = arith.constant 0 : i32
      %dma_start3A_31 = tpu.memref_slice %arg3[%add3A, %dma_start3A_30] : memref<32x704xf32, #tpu.memory_space<hbm>> -> memref<1x704xf32, #tpu.memory_space<hbm>>
      %dma_start3A_32 = tpu.memref_squeeze %dma_start3A_31 : memref<1x704xf32, #tpu.memory_space<hbm>> -> memref<704xf32, #tpu.memory_space<hbm>>
      tpu.enqueue_dma source(%dma_start3A_32 : memref<704xf32, #tpu.memory_space<hbm>>) target(%dma_start3A_29 : memref<704xf32, #tpu.memory_space<vmem>>) target_semaphore(%run_scoped3A : memref<!tpu.dma_semaphore, #tpu.memory_space<semaphore_mem>>)
      %dma_wait3A = arith.constant 0 : i32
      %dma_wait3A_33 = tpu.memref_slice %arg8[%dma_wait3A] : memref<720xf32, #tpu.memory_space<vmem>> -> memref<704xf32, #tpu.memory_space<vmem>>
      %dma_wait3A_34 = arith.constant 0 : i32
      %dma_wait3A_35 = tpu.memref_slice %arg3[%add3A, %dma_wait3A_34] : memref<32x704xf32, #tpu.memory_space<hbm>> -> memref<1x704xf32, #tpu.memory_space<hbm>>
      %dma_wait3A_36 = tpu.memref_squeeze %dma_wait3A_35 : memref<1x704xf32, #tpu.memory_space<hbm>> -> memref<704xf32, #tpu.memory_space<hbm>>
      %dma_wait3A_37 = arith.constant 0 : i32
      %dma_wait3A_38 = tpu.memref_slice %arg8[%dma_wait3A_37] : memref<720xf32, #tpu.memory_space<vmem>> -> memref<704xf32, #tpu.memory_space<vmem>>
      %dma_wait3A_39 = arith.constant 0 : i32
      %dma_wait3A_40 = tpu.memref_slice %arg3[%add3A, %dma_wait3A_39] : memref<32x704xf32, #tpu.memory_space<hbm>> -> memref<1x704xf32, #tpu.memory_space<hbm>>
      %dma_wait3A_41 = tpu.memref_squeeze %dma_wait3A_40 : memref<1x704xf32, #tpu.memory_space<hbm>> -> memref<704xf32, #tpu.memory_space<hbm>>
      tpu.wait_dma2 semaphore(%run_scoped3A : memref<!tpu.dma_semaphore, #tpu.memory_space<semaphore_mem>>) src(%dma_wait3A_41 : memref<704xf32, #tpu.memory_space<hbm>>) dst(%dma_wait3A_38 : memref<704xf32, #tpu.memory_space<vmem>>)
      tpu.yield
    }) : () -> ()
    "tpu.region"() ({
      %run_scoped3A = tpu.sem_alloc : memref<!tpu.dma_semaphore, #tpu.memory_space<semaphore_mem>>
      %dma_start3A_23 = arith.constant 0 : i32
      %dma_start3A_24 = tpu.memref_slice %arg9[%dma_start3A_23] : memref<720xf32, #tpu.memory_space<vmem>> -> memref<704xf32, #tpu.memory_space<vmem>>
      %dma_start3A_25 = arith.constant 0 : i32
      %dma_start3A_26 = tpu.memref_slice %arg4[%add3A, %dma_start3A_25] : memref<32x704xf32, #tpu.memory_space<hbm>> -> memref<1x704xf32, #tpu.memory_space<hbm>>
      %dma_start3A_27 = tpu.memref_squeeze %dma_start3A_26 : memref<1x704xf32, #tpu.memory_space<hbm>> -> memref<704xf32, #tpu.memory_space<hbm>>
      %dma_start3A_28 = arith.constant 0 : i32
      %dma_start3A_29 = tpu.memref_slice %arg9[%dma_start3A_28] : memref<720xf32, #tpu.memory_space<vmem>> -> memref<704xf32, #tpu.memory_space<vmem>>
      %dma_start3A_30 = arith.constant 0 : i32
      %dma_start3A_31 = tpu.memref_slice %arg4[%add3A, %dma_start3A_30] : memref<32x704xf32, #tpu.memory_space<hbm>> -> memref<1x704xf32, #tpu.memory_space<hbm>>
      %dma_start3A_32 = tpu.memref_squeeze %dma_start3A_31 : memref<1x704xf32, #tpu.memory_space<hbm>> -> memref<704xf32, #tpu.memory_space<hbm>>
      tpu.enqueue_dma source(%dma_start3A_32 : memref<704xf32, #tpu.memory_space<hbm>>) target(%dma_start3A_29 : memref<704xf32, #tpu.memory_space<vmem>>) target_semaphore(%run_scoped3A : memref<!tpu.dma_semaphore, #tpu.memory_space<semaphore_mem>>)
      %dma_wait3A = arith.constant 0 : i32
      %dma_wait3A_33 = tpu.memref_slice %arg9[%dma_wait3A] : memref<720xf32, #tpu.memory_space<vmem>> -> memref<704xf32, #tpu.memory_space<vmem>>
      %dma_wait3A_34 = arith.constant 0 : i32
      %dma_wait3A_35 = tpu.memref_slice %arg4[%add3A, %dma_wait3A_34] : memref<32x704xf32, #tpu.memory_space<hbm>> -> memref<1x704xf32, #tpu.memory_space<hbm>>
      %dma_wait3A_36 = tpu.memref_squeeze %dma_wait3A_35 : memref<1x704xf32, #tpu.memory_space<hbm>> -> memref<704xf32, #tpu.memory_space<hbm>>
      %dma_wait3A_37 = arith.constant 0 : i32
      %dma_wait3A_38 = tpu.memref_slice %arg9[%dma_wait3A_37] : memref<720xf32, #tpu.memory_space<vmem>> -> memref<704xf32, #tpu.memory_space<vmem>>
      %dma_wait3A_39 = arith.constant 0 : i32
      %dma_wait3A_40 = tpu.memref_slice %arg4[%add3A, %dma_wait3A_39] : memref<32x704xf32, #tpu.memory_space<hbm>> -> memref<1x704xf32, #tpu.memory_space<hbm>>
      %dma_wait3A_41 = tpu.memref_squeeze %dma_wait3A_40 : memref<1x704xf32, #tpu.memory_space<hbm>> -> memref<704xf32, #tpu.memory_space<hbm>>
      tpu.wait_dma2 semaphore(%run_scoped3A : memref<!tpu.dma_semaphore, #tpu.memory_space<semaphore_mem>>) src(%dma_wait3A_41 : memref<704xf32, #tpu.memory_space<hbm>>) dst(%dma_wait3A_38 : memref<704xf32, #tpu.memory_space<vmem>>)
      tpu.yield
    }) : () -> ()
    %broadcast_in_dim3A = arith.constant 0.000000e+00 : f32
    %broadcast_in_dim3A_1 = vector.broadcast %broadcast_in_dim3A : f32 to vector<16xf32>
    %swap3A = arith.constant 704 : index
    %swap3A_2 = tpu.vector_load %arg8[%swap3A] {strides = array<i32>} : memref<720xf32, #tpu.memory_space<vmem>>, vector<16xf32>,
    tpu.vector_store %arg8[%swap3A], %broadcast_in_dim3A_1 {strides = array<i32>} : memref<720xf32, #tpu.memory_space<vmem>>, vector<16xf32>,
    %swap3A_3 = arith.constant 704 : index
    %swap3A_4 = tpu.vector_load %arg9[%swap3A_3] {strides = array<i32>} : memref<720xf32, #tpu.memory_space<vmem>>, vector<16xf32>,
    tpu.vector_store %arg9[%swap3A_3], %broadcast_in_dim3A_1 {strides = array<i32>} : memref<720xf32, #tpu.memory_space<vmem>>, vector<16xf32>,
    %iota3A = tpu.iota {dimensions = array<i32: 0>} : vector<16xi32>
    %broadcast_in_dim3A_5 = arith.constant 0xFF800000 : f32
    %broadcast_in_dim3A_6 = vector.broadcast %broadcast_in_dim3A_5 : f32 to vector<16xf32>
    %lt3A = arith.constant 7 : i32
    %lt3A_7 = vector.broadcast %lt3A : i32 to vector<16xi32>
    %lt3A_8 = arith.cmpi slt, %iota3A, %lt3A_7 : vector<16xi32>
    %dma_start3A = arith.constant 0 : i32
    %dma_start3A_9 = tpu.memref_slice %arg2[%add3A, %dma_start3A] : memref<32x1048576xf32, #tpu.memory_space<hbm>> -> memref<1x32768xf32, #tpu.memory_space<hbm>>
    %dma_start3A_10 = tpu.memref_squeeze %dma_start3A_9 : memref<1x32768xf32, #tpu.memory_space<hbm>> -> memref<32768xf32, #tpu.memory_space<hbm>>
    %dma_start3A_11 = arith.constant 0 : i32
    %dma_start3A_12 = tpu.memref_slice %arg2[%add3A, %dma_start3A_11] : memref<32x1048576xf32, #tpu.memory_space<hbm>> -> memref<1x32768xf32, #tpu.memory_space<hbm>>
    %dma_start3A_13 = tpu.memref_squeeze %dma_start3A_12 : memref<1x32768xf32, #tpu.memory_space<hbm>> -> memref<32768xf32, #tpu.memory_space<hbm>>
    tpu.enqueue_dma source(%dma_start3A_13 : memref<32768xf32, #tpu.memory_space<hbm>>) target(%arg6 : memref<32768xf32, #tpu.memory_space<vmem>>) target_semaphore(%arg11 : memref<!tpu.dma_semaphore, #tpu.memory_space<semaphore_mem>>)
    %scan3A = arith.constant 0.000000e+00 : f32
    %scan3A_14 = arith.constant 0 : i32
    %scan3A_15 = arith.constant 16 : i32
    %scan3A_16 = arith.addi %scan3A_14, %scan3A_15 : i32
    %scan3A_17 = arith.constant 1 : i32
    %scan3A_18 = scf.for %scan3A_23 = %scan3A_14 to %scan3A_16 step %scan3A_17 iter_args(%scan3A_24 = %scan3A) -> (f32)  : i32 {
      %mul3A_25 = arith.constant 2 : i32
      %mul3A_26 = arith.muli %mul3A_25, %scan3A_23 : i32
      %add3A_27 = arith.constant 1 : i32
      %add3A_28 = arith.addi %mul3A_26, %add3A_27 : i32
      %mul3A_29 = arith.constant 32768 : i32
      %mul3A_30 = arith.muli %add3A_28, %mul3A_29 : i32
      %dma_start3A_31 = tpu.memref_slice %arg2[%add3A, %mul3A_30] : memref<32x1048576xf32, #tpu.memory_space<hbm>> -> memref<1x32768xf32, #tpu.memory_space<hbm>>
      %dma_start3A_32 = tpu.memref_squeeze %dma_start3A_31 : memref<1x32768xf32, #tpu.memory_space<hbm>> -> memref<32768xf32, #tpu.memory_space<hbm>>
      %dma_start3A_33 = tpu.memref_slice %arg2[%add3A, %mul3A_30] : memref<32x1048576xf32, #tpu.memory_space<hbm>> -> memref<1x32768xf32, #tpu.memory_space<hbm>>
      %dma_start3A_34 = tpu.memref_squeeze %dma_start3A_33 : memref<1x32768xf32, #tpu.memory_space<hbm>> -> memref<32768xf32, #tpu.memory_space<hbm>>
      tpu.enqueue_dma source(%dma_start3A_34 : memref<32768xf32, #tpu.memory_space<hbm>>) target(%arg7 : memref<32768xf32, #tpu.memory_space<vmem>>) target_semaphore(%arg12 : memref<!tpu.dma_semaphore, #tpu.memory_space<semaphore_mem>>)
      %mul3A_35 = arith.constant 32768 : i32
      %mul3A_36 = arith.muli %mul3A_26, %mul3A_35 : i32
      %dma_wait3A = tpu.memref_slice %arg2[%add3A, %mul3A_36] : memref<32x1048576xf32, #tpu.memory_space<hbm>> -> memref<1x32768xf32, #tpu.memory_space<hbm>>
      %dma_wait3A_37 = tpu.memref_squeeze %dma_wait3A : memref<1x32768xf32, #tpu.memory_space<hbm>> -> memref<32768xf32, #tpu.memory_space<hbm>>
      %dma_wait3A_38 = tpu.memref_slice %arg2[%add3A, %mul3A_36] : memref<32x1048576xf32, #tpu.memory_space<hbm>> -> memref<1x32768xf32, #tpu.memory_space<hbm>>
      %dma_wait3A_39 = tpu.memref_squeeze %dma_wait3A_38 : memref<1x32768xf32, #tpu.memory_space<hbm>> -> memref<32768xf32, #tpu.memory_space<hbm>>
      tpu.wait_dma2 semaphore(%arg11 : memref<!tpu.dma_semaphore, #tpu.memory_space<semaphore_mem>>) src(%dma_wait3A_39 : memref<32768xf32, #tpu.memory_space<hbm>>) dst(%arg6 : memref<32768xf32, #tpu.memory_space<vmem>>)
      %mul3A_40 = arith.constant 2 : i32
      %mul3A_41 = arith.muli %mul3A_26, %mul3A_40 : i32
      %add3A_42 = arith.constant 0 : i32
      %add3A_43 = arith.addi %mul3A_41, %add3A_42 : i32
      %scan3A_44 = arith.constant 0 : i32
      %scan3A_45 = arith.constant 1024 : i32
      %scan3A_46 = arith.addi %scan3A_44, %scan3A_45 : i32
      %scan3A_47 = arith.constant 8 : i32
      %scan3A_48:3 = scf.for %scan3A_598 = %scan3A_44 to %scan3A_46 step %scan3A_47 iter_args(%scan3A_599 = %broadcast_in_dim3A_6, %scan3A_600 = %iota3A, %scan3A_601 = %iota3A) -> (vector<16xf32>, vector<16xi32>, vector<16xi32>)  : i32 {
        %mul3A_602 = arith.constant 16 : i32
        %mul3A_603 = arith.muli %scan3A_598, %mul3A_602 : i32
        %add3A_604 = arith.constant 0 : i32
        %add3A_605 = arith.addi %add3A_604, %mul3A_603 : i32
        %get3A_606 = arith.index_cast %add3A_605 : i32 to index
        %get3A_607 = tpu.vector_load %arg6[%get3A_606] {strides = array<i32>} : memref<32768xf32, #tpu.memory_space<vmem>>, vector<16xf32>,
        %gt3A_608 = arith.cmpf ogt, %get3A_607, %scan3A_599 : vector<16xf32>
        %select_n3A_609 = arith.select %gt3A_608, %get3A_607, %scan3A_599 : vector<16xi1>, vector<16xf32>
        %select_n3A_610 = arith.select %gt3A_608, %scan3A_601, %scan3A_600 : vector<16xi1>, vector<16xi32>
        %add3A_611 = arith.constant 16 : i32
        %add3A_612 = vector.broadcast %add3A_611 : i32 to vector<16xi32>
        %add3A_613 = arith.addi %scan3A_601, %add3A_612 : vector<16xi32>
        %scan3A_614 = arith.constant 1 : i32
        %scan3A_615 = arith.addi %scan3A_598, %scan3A_614 : i32
        %mul3A_616 = arith.constant 16 : i32
        %mul3A_617 = arith.muli %scan3A_615, %mul3A_616 : i32
        %add3A_618 = arith.constant 0 : i32
        %add3A_619 = arith.addi %add3A_618, %mul3A_617 : i32
        %get3A_620 = arith.index_cast %add3A_619 : i32 to index
        %get3A_621 = tpu.vector_load %arg6[%get3A_620] {strides = array<i32>} : memref<32768xf32, #tpu.memory_space<vmem>>, vector<16xf32>,
        %gt3A_622 = arith.cmpf ogt, %get3A_621, %select_n3A_609 : vector<16xf32>
        %select_n3A_623 = arith.select %gt3A_622, %get3A_621, %select_n3A_609 : vector<16xi1>, vector<16xf32>
        %select_n3A_624 = arith.select %gt3A_622, %add3A_613, %select_n3A_610 : vector<16xi1>, vector<16xi32>
        %add3A_625 = arith.constant 16 : i32
        %add3A_626 = vector.broadcast %add3A_625 : i32 to vector<16xi32>
        %add3A_627 = arith.addi %add3A_613, %add3A_626 : vector<16xi32>
        %scan3A_628 = arith.constant 2 : i32
        %scan3A_629 = arith.addi %scan3A_598, %scan3A_628 : i32
        %mul3A_630 = arith.constant 16 : i32
        %mul3A_631 = arith.muli %scan3A_629, %mul3A_630 : i32
        %add3A_632 = arith.constant 0 : i32
        %add3A_633 = arith.addi %add3A_632, %mul3A_631 : i32
        %get3A_634 = arith.index_cast %add3A_633 : i32 to index
        %get3A_635 = tpu.vector_load %arg6[%get3A_634] {strides = array<i32>} : memref<32768xf32, #tpu.memory_space<vmem>>, vector<16xf32>,
        %gt3A_636 = arith.cmpf ogt, %get3A_635, %select_n3A_623 : vector<16xf32>
        %select_n3A_637 = arith.select %gt3A_636, %get3A_635, %select_n3A_623 : vector<16xi1>, vector<16xf32>
        %select_n3A_638 = arith.select %gt3A_636, %add3A_627, %select_n3A_624 : vector<16xi1>, vector<16xi32>
        %add3A_639 = arith.constant 16 : i32
        %add3A_640 = vector.broadcast %add3A_639 : i32 to vector<16xi32>
        %add3A_641 = arith.addi %add3A_627, %add3A_640 : vector<16xi32>
        %scan3A_642 = arith.constant 3 : i32
        %scan3A_643 = arith.addi %scan3A_598, %scan3A_642 : i32
        %mul3A_644 = arith.constant 16 : i32
        %mul3A_645 = arith.muli %scan3A_643, %mul3A_644 : i32
        %add3A_646 = arith.constant 0 : i32
        %add3A_647 = arith.addi %add3A_646, %mul3A_645 : i32
        %get3A_648 = arith.index_cast %add3A_647 : i32 to index
        %get3A_649 = tpu.vector_load %arg6[%get3A_648] {strides = array<i32>} : memref<32768xf32, #tpu.memory_space<vmem>>, vector<16xf32>,
        %gt3A_650 = arith.cmpf ogt, %get3A_649, %select_n3A_637 : vector<16xf32>
        %select_n3A_651 = arith.select %gt3A_650, %get3A_649, %select_n3A_637 : vector<16xi1>, vector<16xf32>
        %select_n3A_652 = arith.select %gt3A_650, %add3A_641, %select_n3A_638 : vector<16xi1>, vector<16xi32>
        %add3A_653 = arith.constant 16 : i32
        %add3A_654 = vector.broadcast %add3A_653 : i32 to vector<16xi32>
        %add3A_655 = arith.addi %add3A_641, %add3A_654 : vector<16xi32>
        %scan3A_656 = arith.constant 4 : i32
        %scan3A_657 = arith.addi %scan3A_598, %scan3A_656 : i32
        %mul3A_658 = arith.constant 16 : i32
        %mul3A_659 = arith.muli %scan3A_657, %mul3A_658 : i32
        %add3A_660 = arith.constant 0 : i32
        %add3A_661 = arith.addi %add3A_660, %mul3A_659 : i32
        %get3A_662 = arith.index_cast %add3A_661 : i32 to index
        %get3A_663 = tpu.vector_load %arg6[%get3A_662] {strides = array<i32>} : memref<32768xf32, #tpu.memory_space<vmem>>, vector<16xf32>,
        %gt3A_664 = arith.cmpf ogt, %get3A_663, %select_n3A_651 : vector<16xf32>
        %select_n3A_665 = arith.select %gt3A_664, %get3A_663, %select_n3A_651 : vector<16xi1>, vector<16xf32>
        %select_n3A_666 = arith.select %gt3A_664, %add3A_655, %select_n3A_652 : vector<16xi1>, vector<16xi32>
        %add3A_667 = arith.constant 16 : i32
        %add3A_668 = vector.broadcast %add3A_667 : i32 to vector<16xi32>
        %add3A_669 = arith.addi %add3A_655, %add3A_668 : vector<16xi32>
        %scan3A_670 = arith.constant 5 : i32
        %scan3A_671 = arith.addi %scan3A_598, %scan3A_670 : i32
        %mul3A_672 = arith.constant 16 : i32
        %mul3A_673 = arith.muli %scan3A_671, %mul3A_672 : i32
        %add3A_674 = arith.constant 0 : i32
        %add3A_675 = arith.addi %add3A_674, %mul3A_673 : i32
        %get3A_676 = arith.index_cast %add3A_675 : i32 to index
        %get3A_677 = tpu.vector_load %arg6[%get3A_676] {strides = array<i32>} : memref<32768xf32, #tpu.memory_space<vmem>>, vector<16xf32>,
        %gt3A_678 = arith.cmpf ogt, %get3A_677, %select_n3A_665 : vector<16xf32>
        %select_n3A_679 = arith.select %gt3A_678, %get3A_677, %select_n3A_665 : vector<16xi1>, vector<16xf32>
        %select_n3A_680 = arith.select %gt3A_678, %add3A_669, %select_n3A_666 : vector<16xi1>, vector<16xi32>
        %add3A_681 = arith.constant 16 : i32
        %add3A_682 = vector.broadcast %add3A_681 : i32 to vector<16xi32>
        %add3A_683 = arith.addi %add3A_669, %add3A_682 : vector<16xi32>
        %scan3A_684 = arith.constant 6 : i32
        %scan3A_685 = arith.addi %scan3A_598, %scan3A_684 : i32
        %mul3A_686 = arith.constant 16 : i32
        %mul3A_687 = arith.muli %scan3A_685, %mul3A_686 : i32
        %add3A_688 = arith.constant 0 : i32
        %add3A_689 = arith.addi %add3A_688, %mul3A_687 : i32
        %get3A_690 = arith.index_cast %add3A_689 : i32 to index
        %get3A_691 = tpu.vector_load %arg6[%get3A_690] {strides = array<i32>} : memref<32768xf32, #tpu.memory_space<vmem>>, vector<16xf32>,
        %gt3A_692 = arith.cmpf ogt, %get3A_691, %select_n3A_679 : vector<16xf32>
        %select_n3A_693 = arith.select %gt3A_692, %get3A_691, %select_n3A_679 : vector<16xi1>, vector<16xf32>
        %select_n3A_694 = arith.select %gt3A_692, %add3A_683, %select_n3A_680 : vector<16xi1>, vector<16xi32>
        %add3A_695 = arith.constant 16 : i32
        %add3A_696 = vector.broadcast %add3A_695 : i32 to vector<16xi32>
        %add3A_697 = arith.addi %add3A_683, %add3A_696 : vector<16xi32>
        %scan3A_698 = arith.constant 7 : i32
        %scan3A_699 = arith.addi %scan3A_598, %scan3A_698 : i32
        %mul3A_700 = arith.constant 16 : i32
        %mul3A_701 = arith.muli %scan3A_699, %mul3A_700 : i32
        %add3A_702 = arith.constant 0 : i32
        %add3A_703 = arith.addi %add3A_702, %mul3A_701 : i32
        %get3A_704 = arith.index_cast %add3A_703 : i32 to index
        %get3A_705 = tpu.vector_load %arg6[%get3A_704] {strides = array<i32>} : memref<32768xf32, #tpu.memory_space<vmem>>, vector<16xf32>,
        %gt3A_706 = arith.cmpf ogt, %get3A_705, %select_n3A_693 : vector<16xf32>
        %select_n3A_707 = arith.select %gt3A_706, %get3A_705, %select_n3A_693 : vector<16xi1>, vector<16xf32>
        %select_n3A_708 = arith.select %gt3A_706, %add3A_697, %select_n3A_694 : vector<16xi1>, vector<16xi32>
        %add3A_709 = arith.constant 16 : i32
        %add3A_710 = vector.broadcast %add3A_709 : i32 to vector<16xi32>
        %add3A_711 = arith.addi %add3A_697, %add3A_710 : vector<16xi32>
        scf.yield %select_n3A_707, %select_n3A_708, %add3A_711 : vector<16xf32>, vector<16xi32>, vector<16xi32>
      }
      %scan3A_49 = arith.constant 1024 : i32
      %reduce_max3A = arith.constant true
      %reduce_max3A_50 = vector.broadcast %reduce_max3A : i1 to vector<16xi1>
      %reduce_max3A_51 = tpu.scan <max>, %scan3A_48#0 masked %reduce_max3A_50 : vector<16xf32>, vector<16xi1> -> vector<16xf32>
      %reduce_max3A_52 = vector.extract %reduce_max3A_51[15] : f32 from vector<16xf32>
      %eq3A = vector.broadcast %reduce_max3A_52 : f32 to vector<16xf32>
      %eq3A_53 = arith.cmpf oeq, %scan3A_48#0, %eq3A : vector<16xf32>
      %jit3A = arith.constant 16384 : i32
      %broadcast_in_dim3A_54 = vector.broadcast %jit3A : i32 to vector<16xi32>
      %select_n3A = arith.select %eq3A_53, %scan3A_48#1, %broadcast_in_dim3A_54 : vector<16xi1>, vector<16xi32>
      %reduce_min3A = arith.constant true
      %reduce_min3A_55 = vector.broadcast %reduce_min3A : i1 to vector<16xi1>
      %reduce_min3A_56 = arith.constant -2147483648 : i32
      %reduce_min3A_57 = vector.broadcast %reduce_min3A_56 : i32 to vector<16xi32>
      %reduce_min3A_58 = arith.xori %select_n3A, %reduce_min3A_57 : vector<16xi32>
      %reduce_min3A_59 = tpu.scan <min>, %reduce_min3A_58 masked %reduce_min3A_55 : vector<16xi32>, vector<16xi1> -> vector<16xi32>
      %reduce_min3A_60 = arith.xori %reduce_min3A_59, %reduce_min3A_57 : vector<16xi32>
      %reduce_min3A_61 = vector.extract %reduce_min3A_60[15] : i32 from vector<16xi32>
      %shift_right_arithmetic3A = arith.constant 7 : i32
      %shift_right_arithmetic3A_62 = arith.shrsi %reduce_min3A_61, %shift_right_arithmetic3A : i32
      %convert_element_type3A = arith.sitofp %shift_right_arithmetic3A_62 : i32 to f32
      %and3A = arith.constant 127 : i32
      %and3A_63 = arith.andi %reduce_min3A_61, %and3A : i32
      %convert_element_type3A_64 = arith.sitofp %and3A_63 : i32 to f32
      %mul3A_65 = arith.constant 11 : i32
      %mul3A_66 = arith.muli %add3A_43, %mul3A_65 : i32
      %get3A = arith.index_cast %mul3A_66 : i32 to index
      %get3A_67 = tpu.vector_load %arg9[%get3A] {strides = array<i32>} : memref<720xf32, #tpu.memory_space<vmem>>, vector<16xf32>,
      %mul3A_68 = arith.constant 11 : i32
      %mul3A_69 = arith.muli %add3A_43, %mul3A_68 : i32
      %get3A_70 = arith.index_cast %mul3A_69 : i32 to index
      %get3A_71 = tpu.vector_load %arg8[%get3A_70] {strides = array<i32>} : memref<720xf32, #tpu.memory_space<vmem>>, vector<16xf32>,
      %sub3A = arith.subf %get3A_71, %get3A_67 : vector<16xf32>
      %mul3A_72 = arith.mulf %sub3A, %sub3A : vector<16xf32>
      %jit3A_73 = arith.constant 0.000000e+00 : f32
      %broadcast_in_dim3A_74 = vector.broadcast %jit3A_73 : f32 to vector<16xf32>
      %select_n3A_75 = arith.select %lt3A_8, %mul3A_72, %broadcast_in_dim3A_74 : vector<16xi1>, vector<16xf32>
      %reduce_sum3A = arith.constant true
      %reduce_sum3A_76 = vector.broadcast %reduce_sum3A : i1 to vector<16xi1>
      %reduce_sum3A_77 = tpu.scan <sum>, %select_n3A_75 masked %reduce_sum3A_76 : vector<16xf32>, vector<16xi1> -> vector<16xf32>
      %reduce_sum3A_78 = vector.extract %reduce_sum3A_77[15] : f32 from vector<16xf32>
      %eq3A_79 = arith.constant 7 : i32
      %eq3A_80 = vector.broadcast %eq3A_79 : i32 to vector<16xi32>
      %eq3A_81 = arith.cmpi eq, %iota3A, %eq3A_80 : vector<16xi32>
      %jit3A_82 = arith.constant 0.000000e+00 : f32
      %broadcast_in_dim3A_83 = vector.broadcast %jit3A_82 : f32 to vector<16xf32>
      %select_n3A_84 = arith.select %eq3A_81, %get3A_67, %broadcast_in_dim3A_83 : vector<16xi1>, vector<16xf32>
      %reduce_sum3A_85 = arith.constant true
      %reduce_sum3A_86 = vector.broadcast %reduce_sum3A_85 : i1 to vector<16xi1>
      %reduce_sum3A_87 = tpu.scan <sum>, %select_n3A_84 masked %reduce_sum3A_86 : vector<16xf32>, vector<16xi1> -> vector<16xf32>
      %reduce_sum3A_88 = vector.extract %reduce_sum3A_87[15] : f32 from vector<16xf32>
      %eq3A_89 = arith.constant 8 : i32
      %eq3A_90 = vector.broadcast %eq3A_89 : i32 to vector<16xi32>
      %eq3A_91 = arith.cmpi eq, %iota3A, %eq3A_90 : vector<16xi32>
      %jit3A_92 = arith.constant 0.000000e+00 : f32
      %broadcast_in_dim3A_93 = vector.broadcast %jit3A_92 : f32 to vector<16xf32>
      %select_n3A_94 = arith.select %eq3A_91, %get3A_67, %broadcast_in_dim3A_93 : vector<16xi1>, vector<16xf32>
      %reduce_sum3A_95 = arith.constant true
      %reduce_sum3A_96 = vector.broadcast %reduce_sum3A_95 : i1 to vector<16xi1>
      %reduce_sum3A_97 = tpu.scan <sum>, %select_n3A_94 masked %reduce_sum3A_96 : vector<16xf32>, vector<16xi1> -> vector<16xf32>
      %reduce_sum3A_98 = vector.extract %reduce_sum3A_97[15] : f32 from vector<16xf32>
      %eq3A_99 = arith.constant 9 : i32
      %eq3A_100 = vector.broadcast %eq3A_99 : i32 to vector<16xi32>
      %eq3A_101 = arith.cmpi eq, %iota3A, %eq3A_100 : vector<16xi32>
      %jit3A_102 = arith.constant 0.000000e+00 : f32
      %broadcast_in_dim3A_103 = vector.broadcast %jit3A_102 : f32 to vector<16xf32>
      %select_n3A_104 = arith.select %eq3A_101, %get3A_67, %broadcast_in_dim3A_103 : vector<16xi1>, vector<16xf32>
      %reduce_sum3A_105 = arith.constant true
      %reduce_sum3A_106 = vector.broadcast %reduce_sum3A_105 : i1 to vector<16xi1>
      %reduce_sum3A_107 = tpu.scan <sum>, %select_n3A_104 masked %reduce_sum3A_106 : vector<16xf32>, vector<16xi1> -> vector<16xf32>
      %reduce_sum3A_108 = vector.extract %reduce_sum3A_107[15] : f32 from vector<16xf32>
      %eq3A_109 = arith.constant 10 : i32
      %eq3A_110 = vector.broadcast %eq3A_109 : i32 to vector<16xi32>
      %eq3A_111 = arith.cmpi eq, %iota3A, %eq3A_110 : vector<16xi32>
      %jit3A_112 = arith.constant 0.000000e+00 : f32
      %broadcast_in_dim3A_113 = vector.broadcast %jit3A_112 : f32 to vector<16xf32>
      %select_n3A_114 = arith.select %eq3A_111, %get3A_67, %broadcast_in_dim3A_113 : vector<16xi1>, vector<16xf32>
      %reduce_sum3A_115 = arith.constant true
      %reduce_sum3A_116 = vector.broadcast %reduce_sum3A_115 : i1 to vector<16xi1>
      %reduce_sum3A_117 = tpu.scan <sum>, %select_n3A_114 masked %reduce_sum3A_116 : vector<16xf32>, vector<16xi1> -> vector<16xf32>
      %reduce_sum3A_118 = vector.extract %reduce_sum3A_117[15] : f32 from vector<16xf32>
      %add3A_119 = arith.addf %reduce_sum3A_108, %reduce_sum3A_88 : f32
      %sub3A_120 = arith.subf %add3A_119, %convert_element_type3A : f32
      %eq3A_121 = arith.constant 7 : i32
      %eq3A_122 = vector.broadcast %eq3A_121 : i32 to vector<16xi32>
      %eq3A_123 = arith.cmpi eq, %iota3A, %eq3A_122 : vector<16xi32>
      %jit3A_124 = arith.constant 0.000000e+00 : f32
      %broadcast_in_dim3A_125 = vector.broadcast %jit3A_124 : f32 to vector<16xf32>
      %select_n3A_126 = arith.select %eq3A_123, %get3A_71, %broadcast_in_dim3A_125 : vector<16xi1>, vector<16xf32>
      %reduce_sum3A_127 = arith.constant true
      %reduce_sum3A_128 = vector.broadcast %reduce_sum3A_127 : i1 to vector<16xi1>
      %reduce_sum3A_129 = tpu.scan <sum>, %select_n3A_126 masked %reduce_sum3A_128 : vector<16xf32>, vector<16xi1> -> vector<16xf32>
      %reduce_sum3A_130 = vector.extract %reduce_sum3A_129[15] : f32 from vector<16xf32>
      %sub3A_131 = arith.subf %sub3A_120, %reduce_sum3A_130 : f32
      %add3A_132 = arith.addf %reduce_sum3A_118, %reduce_sum3A_98 : f32
      %sub3A_133 = arith.subf %add3A_132, %convert_element_type3A_64 : f32
      %eq3A_134 = arith.constant 8 : i32
      %eq3A_135 = vector.broadcast %eq3A_134 : i32 to vector<16xi32>
      %eq3A_136 = arith.cmpi eq, %iota3A, %eq3A_135 : vector<16xi32>
      %jit3A_137 = arith.constant 0.000000e+00 : f32
      %broadcast_in_dim3A_138 = vector.broadcast %jit3A_137 : f32 to vector<16xf32>
      %select_n3A_139 = arith.select %eq3A_136, %get3A_71, %broadcast_in_dim3A_138 : vector<16xi1>, vector<16xf32>
      %reduce_sum3A_140 = arith.constant true
      %reduce_sum3A_141 = vector.broadcast %reduce_sum3A_140 : i1 to vector<16xi1>
      %reduce_sum3A_142 = tpu.scan <sum>, %select_n3A_139 masked %reduce_sum3A_141 : vector<16xf32>, vector<16xi1> -> vector<16xf32>
      %reduce_sum3A_143 = vector.extract %reduce_sum3A_142[15] : f32 from vector<16xf32>
      %sub3A_144 = arith.subf %sub3A_133, %reduce_sum3A_143 : f32
      %sub3A_145 = arith.constant 1.000000e+00 : f32
      %sub3A_146 = arith.subf %sub3A_145, %reduce_max3A_52 : f32
      %sub3A_147 = arith.constant 1.000000e+00 : f32
      %sub3A_148 = arith.subf %sub3A_147, %reduce_max3A_52 : f32
      %mul3A_149 = arith.mulf %sub3A_146, %sub3A_148 : f32
      %gt3A = arith.constant 0.000000e+00 : f32
      %gt3A_150 = arith.cmpf ogt, %reduce_sum3A_108, %gt3A : f32
      %gt3A_151 = arith.constant 0.000000e+00 : f32
      %gt3A_152 = arith.cmpf ogt, %reduce_sum3A_118, %gt3A_151 : f32
      %and3A_153 = arith.andi %gt3A_150, %gt3A_152 : i1
      %lt3A_154 = arith.constant 1.280000e+02 : f32
      %lt3A_155 = arith.cmpf olt, %reduce_sum3A_108, %lt3A_154 : f32
      %and3A_156 = arith.andi %and3A_153, %lt3A_155 : i1
      %lt3A_157 = arith.constant 1.280000e+02 : f32
      %lt3A_158 = arith.cmpf olt, %reduce_sum3A_118, %lt3A_157 : f32
      %and3A_159 = arith.andi %and3A_156, %lt3A_158 : i1
      %mul3A_160 = arith.mulf %sub3A_131, %sub3A_131 : f32
      %add3A_161 = arith.addf %reduce_sum3A_78, %mul3A_160 : f32
      %mul3A_162 = arith.mulf %sub3A_144, %sub3A_144 : f32
      %add3A_163 = arith.addf %add3A_161, %mul3A_162 : f32
      %add3A_164 = arith.addf %add3A_163, %mul3A_149 : f32
      %jit3A_165 = arith.constant 0.000000e+00 : f32
      %select_n3A_166 = arith.select %and3A_159, %add3A_164, %jit3A_165 : f32
      %add3A_167 = arith.addf %scan3A_24, %select_n3A_166 : f32
      %mul3A_168 = arith.constant 2 : i32
      %mul3A_169 = arith.muli %mul3A_26, %mul3A_168 : i32
      %add3A_170 = arith.constant 1 : i32
      %add3A_171 = arith.addi %mul3A_169, %add3A_170 : i32
      %scan3A_172 = arith.constant 0 : i32
      %scan3A_173 = arith.constant 1024 : i32
      %scan3A_174 = arith.addi %scan3A_172, %scan3A_173 : i32
      %scan3A_175 = arith.constant 8 : i32
      %scan3A_176:3 = scf.for %scan3A_598 = %scan3A_172 to %scan3A_174 step %scan3A_175 iter_args(%scan3A_599 = %broadcast_in_dim3A_6, %scan3A_600 = %iota3A, %scan3A_601 = %iota3A) -> (vector<16xf32>, vector<16xi32>, vector<16xi32>)  : i32 {
        %mul3A_602 = arith.constant 16 : i32
        %mul3A_603 = arith.muli %scan3A_598, %mul3A_602 : i32
        %add3A_604 = arith.constant 16384 : i32
        %add3A_605 = arith.addi %add3A_604, %mul3A_603 : i32
        %get3A_606 = arith.index_cast %add3A_605 : i32 to index
        %get3A_607 = tpu.vector_load %arg6[%get3A_606] {strides = array<i32>} : memref<32768xf32, #tpu.memory_space<vmem>>, vector<16xf32>,
        %gt3A_608 = arith.cmpf ogt, %get3A_607, %scan3A_599 : vector<16xf32>
        %select_n3A_609 = arith.select %gt3A_608, %get3A_607, %scan3A_599 : vector<16xi1>, vector<16xf32>
        %select_n3A_610 = arith.select %gt3A_608, %scan3A_601, %scan3A_600 : vector<16xi1>, vector<16xi32>
        %add3A_611 = arith.constant 16 : i32
        %add3A_612 = vector.broadcast %add3A_611 : i32 to vector<16xi32>
        %add3A_613 = arith.addi %scan3A_601, %add3A_612 : vector<16xi32>
        %scan3A_614 = arith.constant 1 : i32
        %scan3A_615 = arith.addi %scan3A_598, %scan3A_614 : i32
        %mul3A_616 = arith.constant 16 : i32
        %mul3A_617 = arith.muli %scan3A_615, %mul3A_616 : i32
        %add3A_618 = arith.constant 16384 : i32
        %add3A_619 = arith.addi %add3A_618, %mul3A_617 : i32
        %get3A_620 = arith.index_cast %add3A_619 : i32 to index
        %get3A_621 = tpu.vector_load %arg6[%get3A_620] {strides = array<i32>} : memref<32768xf32, #tpu.memory_space<vmem>>, vector<16xf32>,
        %gt3A_622 = arith.cmpf ogt, %get3A_621, %select_n3A_609 : vector<16xf32>
        %select_n3A_623 = arith.select %gt3A_622, %get3A_621, %select_n3A_609 : vector<16xi1>, vector<16xf32>
        %select_n3A_624 = arith.select %gt3A_622, %add3A_613, %select_n3A_610 : vector<16xi1>, vector<16xi32>
        %add3A_625 = arith.constant 16 : i32
        %add3A_626 = vector.broadcast %add3A_625 : i32 to vector<16xi32>
        %add3A_627 = arith.addi %add3A_613, %add3A_626 : vector<16xi32>
        %scan3A_628 = arith.constant 2 : i32
        %scan3A_629 = arith.addi %scan3A_598, %scan3A_628 : i32
        %mul3A_630 = arith.constant 16 : i32
        %mul3A_631 = arith.muli %scan3A_629, %mul3A_630 : i32
        %add3A_632 = arith.constant 16384 : i32
        %add3A_633 = arith.addi %add3A_632, %mul3A_631 : i32
        %get3A_634 = arith.index_cast %add3A_633 : i32 to index
        %get3A_635 = tpu.vector_load %arg6[%get3A_634] {strides = array<i32>} : memref<32768xf32, #tpu.memory_space<vmem>>, vector<16xf32>,
        %gt3A_636 = arith.cmpf ogt, %get3A_635, %select_n3A_623 : vector<16xf32>
        %select_n3A_637 = arith.select %gt3A_636, %get3A_635, %select_n3A_623 : vector<16xi1>, vector<16xf32>
        %select_n3A_638 = arith.select %gt3A_636, %add3A_627, %select_n3A_624 : vector<16xi1>, vector<16xi32>
        %add3A_639 = arith.constant 16 : i32
        %add3A_640 = vector.broadcast %add3A_639 : i32 to vector<16xi32>
        %add3A_641 = arith.addi %add3A_627, %add3A_640 : vector<16xi32>
        %scan3A_642 = arith.constant 3 : i32
        %scan3A_643 = arith.addi %scan3A_598, %scan3A_642 : i32
        %mul3A_644 = arith.constant 16 : i32
        %mul3A_645 = arith.muli %scan3A_643, %mul3A_644 : i32
        %add3A_646 = arith.constant 16384 : i32
        %add3A_647 = arith.addi %add3A_646, %mul3A_645 : i32
        %get3A_648 = arith.index_cast %add3A_647 : i32 to index
        %get3A_649 = tpu.vector_load %arg6[%get3A_648] {strides = array<i32>} : memref<32768xf32, #tpu.memory_space<vmem>>, vector<16xf32>,
        %gt3A_650 = arith.cmpf ogt, %get3A_649, %select_n3A_637 : vector<16xf32>
        %select_n3A_651 = arith.select %gt3A_650, %get3A_649, %select_n3A_637 : vector<16xi1>, vector<16xf32>
        %select_n3A_652 = arith.select %gt3A_650, %add3A_641, %select_n3A_638 : vector<16xi1>, vector<16xi32>
        %add3A_653 = arith.constant 16 : i32
        %add3A_654 = vector.broadcast %add3A_653 : i32 to vector<16xi32>
        %add3A_655 = arith.addi %add3A_641, %add3A_654 : vector<16xi32>
        %scan3A_656 = arith.constant 4 : i32
        %scan3A_657 = arith.addi %scan3A_598, %scan3A_656 : i32
        %mul3A_658 = arith.constant 16 : i32
        %mul3A_659 = arith.muli %scan3A_657, %mul3A_658 : i32
        %add3A_660 = arith.constant 16384 : i32
        %add3A_661 = arith.addi %add3A_660, %mul3A_659 : i32
        %get3A_662 = arith.index_cast %add3A_661 : i32 to index
        %get3A_663 = tpu.vector_load %arg6[%get3A_662] {strides = array<i32>} : memref<32768xf32, #tpu.memory_space<vmem>>, vector<16xf32>,
        %gt3A_664 = arith.cmpf ogt, %get3A_663, %select_n3A_651 : vector<16xf32>
        %select_n3A_665 = arith.select %gt3A_664, %get3A_663, %select_n3A_651 : vector<16xi1>, vector<16xf32>
        %select_n3A_666 = arith.select %gt3A_664, %add3A_655, %select_n3A_652 : vector<16xi1>, vector<16xi32>
        %add3A_667 = arith.constant 16 : i32
        %add3A_668 = vector.broadcast %add3A_667 : i32 to vector<16xi32>
        %add3A_669 = arith.addi %add3A_655, %add3A_668 : vector<16xi32>
        %scan3A_670 = arith.constant 5 : i32
        %scan3A_671 = arith.addi %scan3A_598, %scan3A_670 : i32
        %mul3A_672 = arith.constant 16 : i32
        %mul3A_673 = arith.muli %scan3A_671, %mul3A_672 : i32
        %add3A_674 = arith.constant 16384 : i32
        %add3A_675 = arith.addi %add3A_674, %mul3A_673 : i32
        %get3A_676 = arith.index_cast %add3A_675 : i32 to index
        %get3A_677 = tpu.vector_load %arg6[%get3A_676] {strides = array<i32>} : memref<32768xf32, #tpu.memory_space<vmem>>, vector<16xf32>,
        %gt3A_678 = arith.cmpf ogt, %get3A_677, %select_n3A_665 : vector<16xf32>
        %select_n3A_679 = arith.select %gt3A_678, %get3A_677, %select_n3A_665 : vector<16xi1>, vector<16xf32>
        %select_n3A_680 = arith.select %gt3A_678, %add3A_669, %select_n3A_666 : vector<16xi1>, vector<16xi32>
        %add3A_681 = arith.constant 16 : i32
        %add3A_682 = vector.broadcast %add3A_681 : i32 to vector<16xi32>
        %add3A_683 = arith.addi %add3A_669, %add3A_682 : vector<16xi32>
        %scan3A_684 = arith.constant 6 : i32
        %scan3A_685 = arith.addi %scan3A_598, %scan3A_684 : i32
        %mul3A_686 = arith.constant 16 : i32
        %mul3A_687 = arith.muli %scan3A_685, %mul3A_686 : i32
        %add3A_688 = arith.constant 16384 : i32
        %add3A_689 = arith.addi %add3A_688, %mul3A_687 : i32
        %get3A_690 = arith.index_cast %add3A_689 : i32 to index
        %get3A_691 = tpu.vector_load %arg6[%get3A_690] {strides = array<i32>} : memref<32768xf32, #tpu.memory_space<vmem>>, vector<16xf32>,
        %gt3A_692 = arith.cmpf ogt, %get3A_691, %select_n3A_679 : vector<16xf32>
        %select_n3A_693 = arith.select %gt3A_692, %get3A_691, %select_n3A_679 : vector<16xi1>, vector<16xf32>
        %select_n3A_694 = arith.select %gt3A_692, %add3A_683, %select_n3A_680 : vector<16xi1>, vector<16xi32>
        %add3A_695 = arith.constant 16 : i32
        %add3A_696 = vector.broadcast %add3A_695 : i32 to vector<16xi32>
        %add3A_697 = arith.addi %add3A_683, %add3A_696 : vector<16xi32>
        %scan3A_698 = arith.constant 7 : i32
        %scan3A_699 = arith.addi %scan3A_598, %scan3A_698 : i32
        %mul3A_700 = arith.constant 16 : i32
        %mul3A_701 = arith.muli %scan3A_699, %mul3A_700 : i32
        %add3A_702 = arith.constant 16384 : i32
        %add3A_703 = arith.addi %add3A_702, %mul3A_701 : i32
        %get3A_704 = arith.index_cast %add3A_703 : i32 to index
        %get3A_705 = tpu.vector_load %arg6[%get3A_704] {strides = array<i32>} : memref<32768xf32, #tpu.memory_space<vmem>>, vector<16xf32>,
        %gt3A_706 = arith.cmpf ogt, %get3A_705, %select_n3A_693 : vector<16xf32>
        %select_n3A_707 = arith.select %gt3A_706, %get3A_705, %select_n3A_693 : vector<16xi1>, vector<16xf32>
        %select_n3A_708 = arith.select %gt3A_706, %add3A_697, %select_n3A_694 : vector<16xi1>, vector<16xi32>
        %add3A_709 = arith.constant 16 : i32
        %add3A_710 = vector.broadcast %add3A_709 : i32 to vector<16xi32>
        %add3A_711 = arith.addi %add3A_697, %add3A_710 : vector<16xi32>
        scf.yield %select_n3A_707, %select_n3A_708, %add3A_711 : vector<16xf32>, vector<16xi32>, vector<16xi32>
      }
      %scan3A_177 = arith.constant 1024 : i32
      %reduce_max3A_178 = arith.constant true
      %reduce_max3A_179 = vector.broadcast %reduce_max3A_178 : i1 to vector<16xi1>
      %reduce_max3A_180 = tpu.scan <max>, %scan3A_176#0 masked %reduce_max3A_179 : vector<16xf32>, vector<16xi1> -> vector<16xf32>
      %reduce_max3A_181 = vector.extract %reduce_max3A_180[15] : f32 from vector<16xf32>
      %eq3A_182 = vector.broadcast %reduce_max3A_181 : f32 to vector<16xf32>
      %eq3A_183 = arith.cmpf oeq, %scan3A_176#0, %eq3A_182 : vector<16xf32>
      %jit3A_184 = arith.constant 16384 : i32
      %broadcast_in_dim3A_185 = vector.broadcast %jit3A_184 : i32 to vector<16xi32>
      %select_n3A_186 = arith.select %eq3A_183, %scan3A_176#1, %broadcast_in_dim3A_185 : vector<16xi1>, vector<16xi32>
      %reduce_min3A_187 = arith.constant true
      %reduce_min3A_188 = vector.broadcast %reduce_min3A_187 : i1 to vector<16xi1>
      %reduce_min3A_189 = arith.constant -2147483648 : i32
      %reduce_min3A_190 = vector.broadcast %reduce_min3A_189 : i32 to vector<16xi32>
      %reduce_min3A_191 = arith.xori %select_n3A_186, %reduce_min3A_190 : vector<16xi32>
      %reduce_min3A_192 = tpu.scan <min>, %reduce_min3A_191 masked %reduce_min3A_188 : vector<16xi32>, vector<16xi1> -> vector<16xi32>
      %reduce_min3A_193 = arith.xori %reduce_min3A_192, %reduce_min3A_190 : vector<16xi32>
      %reduce_min3A_194 = vector.extract %reduce_min3A_193[15] : i32 from vector<16xi32>
      %shift_right_arithmetic3A_195 = arith.constant 7 : i32
      %shift_right_arithmetic3A_196 = arith.shrsi %reduce_min3A_194, %shift_right_arithmetic3A_195 : i32
      %convert_element_type3A_197 = arith.sitofp %shift_right_arithmetic3A_196 : i32 to f32
      %and3A_198 = arith.constant 127 : i32
      %and3A_199 = arith.andi %reduce_min3A_194, %and3A_198 : i32
      %convert_element_type3A_200 = arith.sitofp %and3A_199 : i32 to f32
      %mul3A_201 = arith.constant 11 : i32
      %mul3A_202 = arith.muli %add3A_171, %mul3A_201 : i32
      %get3A_203 = arith.index_cast %mul3A_202 : i32 to index
      %get3A_204 = tpu.vector_load %arg9[%get3A_203] {strides = array<i32>} : memref<720xf32, #tpu.memory_space<vmem>>, vector<16xf32>,
      %mul3A_205 = arith.constant 11 : i32
      %mul3A_206 = arith.muli %add3A_171, %mul3A_205 : i32
      %get3A_207 = arith.index_cast %mul3A_206 : i32 to index
      %get3A_208 = tpu.vector_load %arg8[%get3A_207] {strides = array<i32>} : memref<720xf32, #tpu.memory_space<vmem>>, vector<16xf32>,
      %sub3A_209 = arith.subf %get3A_208, %get3A_204 : vector<16xf32>
      %mul3A_210 = arith.mulf %sub3A_209, %sub3A_209 : vector<16xf32>
      %jit3A_211 = arith.constant 0.000000e+00 : f32
      %broadcast_in_dim3A_212 = vector.broadcast %jit3A_211 : f32 to vector<16xf32>
      %select_n3A_213 = arith.select %lt3A_8, %mul3A_210, %broadcast_in_dim3A_212 : vector<16xi1>, vector<16xf32>
      %reduce_sum3A_214 = arith.constant true
      %reduce_sum3A_215 = vector.broadcast %reduce_sum3A_214 : i1 to vector<16xi1>
      %reduce_sum3A_216 = tpu.scan <sum>, %select_n3A_213 masked %reduce_sum3A_215 : vector<16xf32>, vector<16xi1> -> vector<16xf32>
      %reduce_sum3A_217 = vector.extract %reduce_sum3A_216[15] : f32 from vector<16xf32>
      %eq3A_218 = arith.constant 7 : i32
      %eq3A_219 = vector.broadcast %eq3A_218 : i32 to vector<16xi32>
      %eq3A_220 = arith.cmpi eq, %iota3A, %eq3A_219 : vector<16xi32>
      %jit3A_221 = arith.constant 0.000000e+00 : f32
      %broadcast_in_dim3A_222 = vector.broadcast %jit3A_221 : f32 to vector<16xf32>
      %select_n3A_223 = arith.select %eq3A_220, %get3A_204, %broadcast_in_dim3A_222 : vector<16xi1>, vector<16xf32>
      %reduce_sum3A_224 = arith.constant true
      %reduce_sum3A_225 = vector.broadcast %reduce_sum3A_224 : i1 to vector<16xi1>
      %reduce_sum3A_226 = tpu.scan <sum>, %select_n3A_223 masked %reduce_sum3A_225 : vector<16xf32>, vector<16xi1> -> vector<16xf32>
      %reduce_sum3A_227 = vector.extract %reduce_sum3A_226[15] : f32 from vector<16xf32>
      %eq3A_228 = arith.constant 8 : i32
      %eq3A_229 = vector.broadcast %eq3A_228 : i32 to vector<16xi32>
      %eq3A_230 = arith.cmpi eq, %iota3A, %eq3A_229 : vector<16xi32>
      %jit3A_231 = arith.constant 0.000000e+00 : f32
      %broadcast_in_dim3A_232 = vector.broadcast %jit3A_231 : f32 to vector<16xf32>
      %select_n3A_233 = arith.select %eq3A_230, %get3A_204, %broadcast_in_dim3A_232 : vector<16xi1>, vector<16xf32>
      %reduce_sum3A_234 = arith.constant true
      %reduce_sum3A_235 = vector.broadcast %reduce_sum3A_234 : i1 to vector<16xi1>
      %reduce_sum3A_236 = tpu.scan <sum>, %select_n3A_233 masked %reduce_sum3A_235 : vector<16xf32>, vector<16xi1> -> vector<16xf32>
      %reduce_sum3A_237 = vector.extract %reduce_sum3A_236[15] : f32 from vector<16xf32>
      %eq3A_238 = arith.constant 9 : i32
      %eq3A_239 = vector.broadcast %eq3A_238 : i32 to vector<16xi32>
      %eq3A_240 = arith.cmpi eq, %iota3A, %eq3A_239 : vector<16xi32>
      %jit3A_241 = arith.constant 0.000000e+00 : f32
      %broadcast_in_dim3A_242 = vector.broadcast %jit3A_241 : f32 to vector<16xf32>
      %select_n3A_243 = arith.select %eq3A_240, %get3A_204, %broadcast_in_dim3A_242 : vector<16xi1>, vector<16xf32>
      %reduce_sum3A_244 = arith.constant true
      %reduce_sum3A_245 = vector.broadcast %reduce_sum3A_244 : i1 to vector<16xi1>
      %reduce_sum3A_246 = tpu.scan <sum>, %select_n3A_243 masked %reduce_sum3A_245 : vector<16xf32>, vector<16xi1> -> vector<16xf32>
      %reduce_sum3A_247 = vector.extract %reduce_sum3A_246[15] : f32 from vector<16xf32>
      %eq3A_248 = arith.constant 10 : i32
      %eq3A_249 = vector.broadcast %eq3A_248 : i32 to vector<16xi32>
      %eq3A_250 = arith.cmpi eq, %iota3A, %eq3A_249 : vector<16xi32>
      %jit3A_251 = arith.constant 0.000000e+00 : f32
      %broadcast_in_dim3A_252 = vector.broadcast %jit3A_251 : f32 to vector<16xf32>
      %select_n3A_253 = arith.select %eq3A_250, %get3A_204, %broadcast_in_dim3A_252 : vector<16xi1>, vector<16xf32>
      %reduce_sum3A_254 = arith.constant true
      %reduce_sum3A_255 = vector.broadcast %reduce_sum3A_254 : i1 to vector<16xi1>
      %reduce_sum3A_256 = tpu.scan <sum>, %select_n3A_253 masked %reduce_sum3A_255 : vector<16xf32>, vector<16xi1> -> vector<16xf32>
      %reduce_sum3A_257 = vector.extract %reduce_sum3A_256[15] : f32 from vector<16xf32>
      %add3A_258 = arith.addf %reduce_sum3A_247, %reduce_sum3A_227 : f32
      %sub3A_259 = arith.subf %add3A_258, %convert_element_type3A_197 : f32
      %eq3A_260 = arith.constant 7 : i32
      %eq3A_261 = vector.broadcast %eq3A_260 : i32 to vector<16xi32>
      %eq3A_262 = arith.cmpi eq, %iota3A, %eq3A_261 : vector<16xi32>
      %jit3A_263 = arith.constant 0.000000e+00 : f32
      %broadcast_in_dim3A_264 = vector.broadcast %jit3A_263 : f32 to vector<16xf32>
      %select_n3A_265 = arith.select %eq3A_262, %get3A_208, %broadcast_in_dim3A_264 : vector<16xi1>, vector<16xf32>
      %reduce_sum3A_266 = arith.constant true
      %reduce_sum3A_267 = vector.broadcast %reduce_sum3A_266 : i1 to vector<16xi1>
      %reduce_sum3A_268 = tpu.scan <sum>, %select_n3A_265 masked %reduce_sum3A_267 : vector<16xf32>, vector<16xi1> -> vector<16xf32>
      %reduce_sum3A_269 = vector.extract %reduce_sum3A_268[15] : f32 from vector<16xf32>
      %sub3A_270 = arith.subf %sub3A_259, %reduce_sum3A_269 : f32
      %add3A_271 = arith.addf %reduce_sum3A_257, %reduce_sum3A_237 : f32
      %sub3A_272 = arith.subf %add3A_271, %convert_element_type3A_200 : f32
      %eq3A_273 = arith.constant 8 : i32
      %eq3A_274 = vector.broadcast %eq3A_273 : i32 to vector<16xi32>
      %eq3A_275 = arith.cmpi eq, %iota3A, %eq3A_274 : vector<16xi32>
      %jit3A_276 = arith.constant 0.000000e+00 : f32
      %broadcast_in_dim3A_277 = vector.broadcast %jit3A_276 : f32 to vector<16xf32>
      %select_n3A_278 = arith.select %eq3A_275, %get3A_208, %broadcast_in_dim3A_277 : vector<16xi1>, vector<16xf32>
      %reduce_sum3A_279 = arith.constant true
      %reduce_sum3A_280 = vector.broadcast %reduce_sum3A_279 : i1 to vector<16xi1>
      %reduce_sum3A_281 = tpu.scan <sum>, %select_n3A_278 masked %reduce_sum3A_280 : vector<16xf32>, vector<16xi1> -> vector<16xf32>
      %reduce_sum3A_282 = vector.extract %reduce_sum3A_281[15] : f32 from vector<16xf32>
      %sub3A_283 = arith.subf %sub3A_272, %reduce_sum3A_282 : f32
      %sub3A_284 = arith.constant 1.000000e+00 : f32
      %sub3A_285 = arith.subf %sub3A_284, %reduce_max3A_181 : f32
      %sub3A_286 = arith.constant 1.000000e+00 : f32
      %sub3A_287 = arith.subf %sub3A_286, %reduce_max3A_181 : f32
      %mul3A_288 = arith.mulf %sub3A_285, %sub3A_287 : f32
      %gt3A_289 = arith.constant 0.000000e+00 : f32
      %gt3A_290 = arith.cmpf ogt, %reduce_sum3A_247, %gt3A_289 : f32
      %gt3A_291 = arith.constant 0.000000e+00 : f32
      %gt3A_292 = arith.cmpf ogt, %reduce_sum3A_257, %gt3A_291 : f32
      %and3A_293 = arith.andi %gt3A_290, %gt3A_292 : i1
      %lt3A_294 = arith.constant 1.280000e+02 : f32
      %lt3A_295 = arith.cmpf olt, %reduce_sum3A_247, %lt3A_294 : f32
      %and3A_296 = arith.andi %and3A_293, %lt3A_295 : i1
      %lt3A_297 = arith.constant 1.280000e+02 : f32
      %lt3A_298 = arith.cmpf olt, %reduce_sum3A_257, %lt3A_297 : f32
      %and3A_299 = arith.andi %and3A_296, %lt3A_298 : i1
      %mul3A_300 = arith.mulf %sub3A_270, %sub3A_270 : f32
      %add3A_301 = arith.addf %reduce_sum3A_217, %mul3A_300 : f32
      %mul3A_302 = arith.mulf %sub3A_283, %sub3A_283 : f32
      %add3A_303 = arith.addf %add3A_301, %mul3A_302 : f32
      %add3A_304 = arith.addf %add3A_303, %mul3A_288 : f32
      %jit3A_305 = arith.constant 0.000000e+00 : f32
      %select_n3A_306 = arith.select %and3A_299, %add3A_304, %jit3A_305 : f32
      %add3A_307 = arith.addf %add3A_167, %select_n3A_306 : f32
      %lt3A_308 = arith.constant 15 : i32
      %lt3A_309 = arith.cmpi slt, %scan3A_23, %lt3A_308 : i32
      %convert_element_type3A_310 = arith.extui %lt3A_309 : i1 to i32
      %cond3A = arith.constant 0 : i32
      %cond3A_311 = arith.cmpi ne, %convert_element_type3A_310, %cond3A : i32
      scf.if %cond3A_311 {
        %add3A_598 = arith.constant 2 : i32
        %add3A_599 = arith.addi %mul3A_26, %add3A_598 : i32
        %mul3A_600 = arith.constant 32768 : i32
        %mul3A_601 = arith.muli %add3A_599, %mul3A_600 : i32
        %dma_start3A_602 = tpu.memref_slice %arg2[%add3A, %mul3A_601] : memref<32x1048576xf32, #tpu.memory_space<hbm>> -> memref<1x32768xf32, #tpu.memory_space<hbm>>
        %dma_start3A_603 = tpu.memref_squeeze %dma_start3A_602 : memref<1x32768xf32, #tpu.memory_space<hbm>> -> memref<32768xf32, #tpu.memory_space<hbm>>
        %dma_start3A_604 = tpu.memref_slice %arg2[%add3A, %mul3A_601] : memref<32x1048576xf32, #tpu.memory_space<hbm>> -> memref<1x32768xf32, #tpu.memory_space<hbm>>
        %dma_start3A_605 = tpu.memref_squeeze %dma_start3A_604 : memref<1x32768xf32, #tpu.memory_space<hbm>> -> memref<32768xf32, #tpu.memory_space<hbm>>
        tpu.enqueue_dma source(%dma_start3A_605 : memref<32768xf32, #tpu.memory_space<hbm>>) target(%arg6 : memref<32768xf32, #tpu.memory_space<vmem>>) target_semaphore(%arg11 : memref<!tpu.dma_semaphore, #tpu.memory_space<semaphore_mem>>)
      } else {
      }
      %mul3A_312 = arith.constant 32768 : i32
      %mul3A_313 = arith.muli %add3A_28, %mul3A_312 : i32
      %dma_wait3A_314 = tpu.memref_slice %arg2[%add3A, %mul3A_313] : memref<32x1048576xf32, #tpu.memory_space<hbm>> -> memref<1x32768xf32, #tpu.memory_space<hbm>>
      %dma_wait3A_315 = tpu.memref_squeeze %dma_wait3A_314 : memref<1x32768xf32, #tpu.memory_space<hbm>> -> memref<32768xf32, #tpu.memory_space<hbm>>
      %dma_wait3A_316 = tpu.memref_slice %arg2[%add3A, %mul3A_313] : memref<32x1048576xf32, #tpu.memory_space<hbm>> -> memref<1x32768xf32, #tpu.memory_space<hbm>>
      %dma_wait3A_317 = tpu.memref_squeeze %dma_wait3A_316 : memref<1x32768xf32, #tpu.memory_space<hbm>> -> memref<32768xf32, #tpu.memory_space<hbm>>
      tpu.wait_dma2 semaphore(%arg12 : memref<!tpu.dma_semaphore, #tpu.memory_space<semaphore_mem>>) src(%dma_wait3A_317 : memref<32768xf32, #tpu.memory_space<hbm>>) dst(%arg7 : memref<32768xf32, #tpu.memory_space<vmem>>)
      %mul3A_318 = arith.constant 2 : i32
      %mul3A_319 = arith.muli %add3A_28, %mul3A_318 : i32
      %add3A_320 = arith.constant 0 : i32
      %add3A_321 = arith.addi %mul3A_319, %add3A_320 : i32
      %scan3A_322 = arith.constant 0 : i32
      %scan3A_323 = arith.constant 1024 : i32
      %scan3A_324 = arith.addi %scan3A_322, %scan3A_323 : i32
      %scan3A_325 = arith.constant 8 : i32
      %scan3A_326:3 = scf.for %scan3A_598 = %scan3A_322 to %scan3A_324 step %scan3A_325 iter_args(%scan3A_599 = %broadcast_in_dim3A_6, %scan3A_600 = %iota3A, %scan3A_601 = %iota3A) -> (vector<16xf32>, vector<16xi32>, vector<16xi32>)  : i32 {
        %mul3A_602 = arith.constant 16 : i32
        %mul3A_603 = arith.muli %scan3A_598, %mul3A_602 : i32
        %add3A_604 = arith.constant 0 : i32
        %add3A_605 = arith.addi %add3A_604, %mul3A_603 : i32
        %get3A_606 = arith.index_cast %add3A_605 : i32 to index
        %get3A_607 = tpu.vector_load %arg7[%get3A_606] {strides = array<i32>} : memref<32768xf32, #tpu.memory_space<vmem>>, vector<16xf32>,
        %gt3A_608 = arith.cmpf ogt, %get3A_607, %scan3A_599 : vector<16xf32>
        %select_n3A_609 = arith.select %gt3A_608, %get3A_607, %scan3A_599 : vector<16xi1>, vector<16xf32>
        %select_n3A_610 = arith.select %gt3A_608, %scan3A_601, %scan3A_600 : vector<16xi1>, vector<16xi32>
        %add3A_611 = arith.constant 16 : i32
        %add3A_612 = vector.broadcast %add3A_611 : i32 to vector<16xi32>
        %add3A_613 = arith.addi %scan3A_601, %add3A_612 : vector<16xi32>
        %scan3A_614 = arith.constant 1 : i32
        %scan3A_615 = arith.addi %scan3A_598, %scan3A_614 : i32
        %mul3A_616 = arith.constant 16 : i32
        %mul3A_617 = arith.muli %scan3A_615, %mul3A_616 : i32
        %add3A_618 = arith.constant 0 : i32
        %add3A_619 = arith.addi %add3A_618, %mul3A_617 : i32
        %get3A_620 = arith.index_cast %add3A_619 : i32 to index
        %get3A_621 = tpu.vector_load %arg7[%get3A_620] {strides = array<i32>} : memref<32768xf32, #tpu.memory_space<vmem>>, vector<16xf32>,
        %gt3A_622 = arith.cmpf ogt, %get3A_621, %select_n3A_609 : vector<16xf32>
        %select_n3A_623 = arith.select %gt3A_622, %get3A_621, %select_n3A_609 : vector<16xi1>, vector<16xf32>
        %select_n3A_624 = arith.select %gt3A_622, %add3A_613, %select_n3A_610 : vector<16xi1>, vector<16xi32>
        %add3A_625 = arith.constant 16 : i32
        %add3A_626 = vector.broadcast %add3A_625 : i32 to vector<16xi32>
        %add3A_627 = arith.addi %add3A_613, %add3A_626 : vector<16xi32>
        %scan3A_628 = arith.constant 2 : i32
        %scan3A_629 = arith.addi %scan3A_598, %scan3A_628 : i32
        %mul3A_630 = arith.constant 16 : i32
        %mul3A_631 = arith.muli %scan3A_629, %mul3A_630 : i32
        %add3A_632 = arith.constant 0 : i32
        %add3A_633 = arith.addi %add3A_632, %mul3A_631 : i32
        %get3A_634 = arith.index_cast %add3A_633 : i32 to index
        %get3A_635 = tpu.vector_load %arg7[%get3A_634] {strides = array<i32>} : memref<32768xf32, #tpu.memory_space<vmem>>, vector<16xf32>,
        %gt3A_636 = arith.cmpf ogt, %get3A_635, %select_n3A_623 : vector<16xf32>
        %select_n3A_637 = arith.select %gt3A_636, %get3A_635, %select_n3A_623 : vector<16xi1>, vector<16xf32>
        %select_n3A_638 = arith.select %gt3A_636, %add3A_627, %select_n3A_624 : vector<16xi1>, vector<16xi32>
        %add3A_639 = arith.constant 16 : i32
        %add3A_640 = vector.broadcast %add3A_639 : i32 to vector<16xi32>
        %add3A_641 = arith.addi %add3A_627, %add3A_640 : vector<16xi32>
        %scan3A_642 = arith.constant 3 : i32
        %scan3A_643 = arith.addi %scan3A_598, %scan3A_642 : i32
        %mul3A_644 = arith.constant 16 : i32
        %mul3A_645 = arith.muli %scan3A_643, %mul3A_644 : i32
        %add3A_646 = arith.constant 0 : i32
        %add3A_647 = arith.addi %add3A_646, %mul3A_645 : i32
        %get3A_648 = arith.index_cast %add3A_647 : i32 to index
        %get3A_649 = tpu.vector_load %arg7[%get3A_648] {strides = array<i32>} : memref<32768xf32, #tpu.memory_space<vmem>>, vector<16xf32>,
        %gt3A_650 = arith.cmpf ogt, %get3A_649, %select_n3A_637 : vector<16xf32>
        %select_n3A_651 = arith.select %gt3A_650, %get3A_649, %select_n3A_637 : vector<16xi1>, vector<16xf32>
        %select_n3A_652 = arith.select %gt3A_650, %add3A_641, %select_n3A_638 : vector<16xi1>, vector<16xi32>
        %add3A_653 = arith.constant 16 : i32
        %add3A_654 = vector.broadcast %add3A_653 : i32 to vector<16xi32>
        %add3A_655 = arith.addi %add3A_641, %add3A_654 : vector<16xi32>
        %scan3A_656 = arith.constant 4 : i32
        %scan3A_657 = arith.addi %scan3A_598, %scan3A_656 : i32
        %mul3A_658 = arith.constant 16 : i32
        %mul3A_659 = arith.muli %scan3A_657, %mul3A_658 : i32
        %add3A_660 = arith.constant 0 : i32
        %add3A_661 = arith.addi %add3A_660, %mul3A_659 : i32
        %get3A_662 = arith.index_cast %add3A_661 : i32 to index
        %get3A_663 = tpu.vector_load %arg7[%get3A_662] {strides = array<i32>} : memref<32768xf32, #tpu.memory_space<vmem>>, vector<16xf32>,
        %gt3A_664 = arith.cmpf ogt, %get3A_663, %select_n3A_651 : vector<16xf32>
        %select_n3A_665 = arith.select %gt3A_664, %get3A_663, %select_n3A_651 : vector<16xi1>, vector<16xf32>
        %select_n3A_666 = arith.select %gt3A_664, %add3A_655, %select_n3A_652 : vector<16xi1>, vector<16xi32>
        %add3A_667 = arith.constant 16 : i32
        %add3A_668 = vector.broadcast %add3A_667 : i32 to vector<16xi32>
        %add3A_669 = arith.addi %add3A_655, %add3A_668 : vector<16xi32>
        %scan3A_670 = arith.constant 5 : i32
        %scan3A_671 = arith.addi %scan3A_598, %scan3A_670 : i32
        %mul3A_672 = arith.constant 16 : i32
        %mul3A_673 = arith.muli %scan3A_671, %mul3A_672 : i32
        %add3A_674 = arith.constant 0 : i32
        %add3A_675 = arith.addi %add3A_674, %mul3A_673 : i32
        %get3A_676 = arith.index_cast %add3A_675 : i32 to index
        %get3A_677 = tpu.vector_load %arg7[%get3A_676] {strides = array<i32>} : memref<32768xf32, #tpu.memory_space<vmem>>, vector<16xf32>,
        %gt3A_678 = arith.cmpf ogt, %get3A_677, %select_n3A_665 : vector<16xf32>
        %select_n3A_679 = arith.select %gt3A_678, %get3A_677, %select_n3A_665 : vector<16xi1>, vector<16xf32>
        %select_n3A_680 = arith.select %gt3A_678, %add3A_669, %select_n3A_666 : vector<16xi1>, vector<16xi32>
        %add3A_681 = arith.constant 16 : i32
        %add3A_682 = vector.broadcast %add3A_681 : i32 to vector<16xi32>
        %add3A_683 = arith.addi %add3A_669, %add3A_682 : vector<16xi32>
        %scan3A_684 = arith.constant 6 : i32
        %scan3A_685 = arith.addi %scan3A_598, %scan3A_684 : i32
        %mul3A_686 = arith.constant 16 : i32
        %mul3A_687 = arith.muli %scan3A_685, %mul3A_686 : i32
        %add3A_688 = arith.constant 0 : i32
        %add3A_689 = arith.addi %add3A_688, %mul3A_687 : i32
        %get3A_690 = arith.index_cast %add3A_689 : i32 to index
        %get3A_691 = tpu.vector_load %arg7[%get3A_690] {strides = array<i32>} : memref<32768xf32, #tpu.memory_space<vmem>>, vector<16xf32>,
        %gt3A_692 = arith.cmpf ogt, %get3A_691, %select_n3A_679 : vector<16xf32>
        %select_n3A_693 = arith.select %gt3A_692, %get3A_691, %select_n3A_679 : vector<16xi1>, vector<16xf32>
        %select_n3A_694 = arith.select %gt3A_692, %add3A_683, %select_n3A_680 : vector<16xi1>, vector<16xi32>
        %add3A_695 = arith.constant 16 : i32
        %add3A_696 = vector.broadcast %add3A_695 : i32 to vector<16xi32>
        %add3A_697 = arith.addi %add3A_683, %add3A_696 : vector<16xi32>
        %scan3A_698 = arith.constant 7 : i32
        %scan3A_699 = arith.addi %scan3A_598, %scan3A_698 : i32
        %mul3A_700 = arith.constant 16 : i32
        %mul3A_701 = arith.muli %scan3A_699, %mul3A_700 : i32
        %add3A_702 = arith.constant 0 : i32
        %add3A_703 = arith.addi %add3A_702, %mul3A_701 : i32
        %get3A_704 = arith.index_cast %add3A_703 : i32 to index
        %get3A_705 = tpu.vector_load %arg7[%get3A_704] {strides = array<i32>} : memref<32768xf32, #tpu.memory_space<vmem>>, vector<16xf32>,
        %gt3A_706 = arith.cmpf ogt, %get3A_705, %select_n3A_693 : vector<16xf32>
        %select_n3A_707 = arith.select %gt3A_706, %get3A_705, %select_n3A_693 : vector<16xi1>, vector<16xf32>
        %select_n3A_708 = arith.select %gt3A_706, %add3A_697, %select_n3A_694 : vector<16xi1>, vector<16xi32>
        %add3A_709 = arith.constant 16 : i32
        %add3A_710 = vector.broadcast %add3A_709 : i32 to vector<16xi32>
        %add3A_711 = arith.addi %add3A_697, %add3A_710 : vector<16xi32>
        scf.yield %select_n3A_707, %select_n3A_708, %add3A_711 : vector<16xf32>, vector<16xi32>, vector<16xi32>
      }
      %scan3A_327 = arith.constant 1024 : i32
      %reduce_max3A_328 = arith.constant true
      %reduce_max3A_329 = vector.broadcast %reduce_max3A_328 : i1 to vector<16xi1>
      %reduce_max3A_330 = tpu.scan <max>, %scan3A_326#0 masked %reduce_max3A_329 : vector<16xf32>, vector<16xi1> -> vector<16xf32>
      %reduce_max3A_331 = vector.extract %reduce_max3A_330[15] : f32 from vector<16xf32>
      %eq3A_332 = vector.broadcast %reduce_max3A_331 : f32 to vector<16xf32>
      %eq3A_333 = arith.cmpf oeq, %scan3A_326#0, %eq3A_332 : vector<16xf32>
      %jit3A_334 = arith.constant 16384 : i32
      %broadcast_in_dim3A_335 = vector.broadcast %jit3A_334 : i32 to vector<16xi32>
      %select_n3A_336 = arith.select %eq3A_333, %scan3A_326#1, %broadcast_in_dim3A_335 : vector<16xi1>, vector<16xi32>
      %reduce_min3A_337 = arith.constant true
      %reduce_min3A_338 = vector.broadcast %reduce_min3A_337 : i1 to vector<16xi1>
      %reduce_min3A_339 = arith.constant -2147483648 : i32
      %reduce_min3A_340 = vector.broadcast %reduce_min3A_339 : i32 to vector<16xi32>
      %reduce_min3A_341 = arith.xori %select_n3A_336, %reduce_min3A_340 : vector<16xi32>
      %reduce_min3A_342 = tpu.scan <min>, %reduce_min3A_341 masked %reduce_min3A_338 : vector<16xi32>, vector<16xi1> -> vector<16xi32>
      %reduce_min3A_343 = arith.xori %reduce_min3A_342, %reduce_min3A_340 : vector<16xi32>
      %reduce_min3A_344 = vector.extract %reduce_min3A_343[15] : i32 from vector<16xi32>
      %shift_right_arithmetic3A_345 = arith.constant 7 : i32
      %shift_right_arithmetic3A_346 = arith.shrsi %reduce_min3A_344, %shift_right_arithmetic3A_345 : i32
      %convert_element_type3A_347 = arith.sitofp %shift_right_arithmetic3A_346 : i32 to f32
      %and3A_348 = arith.constant 127 : i32
      %and3A_349 = arith.andi %reduce_min3A_344, %and3A_348 : i32
      %convert_element_type3A_350 = arith.sitofp %and3A_349 : i32 to f32
      %mul3A_351 = arith.constant 11 : i32
      %mul3A_352 = arith.muli %add3A_321, %mul3A_351 : i32
      %get3A_353 = arith.index_cast %mul3A_352 : i32 to index
      %get3A_354 = tpu.vector_load %arg9[%get3A_353] {strides = array<i32>} : memref<720xf32, #tpu.memory_space<vmem>>, vector<16xf32>,
      %mul3A_355 = arith.constant 11 : i32
      %mul3A_356 = arith.muli %add3A_321, %mul3A_355 : i32
      %get3A_357 = arith.index_cast %mul3A_356 : i32 to index
      %get3A_358 = tpu.vector_load %arg8[%get3A_357] {strides = array<i32>} : memref<720xf32, #tpu.memory_space<vmem>>, vector<16xf32>,
      %sub3A_359 = arith.subf %get3A_358, %get3A_354 : vector<16xf32>
      %mul3A_360 = arith.mulf %sub3A_359, %sub3A_359 : vector<16xf32>
      %jit3A_361 = arith.constant 0.000000e+00 : f32
      %broadcast_in_dim3A_362 = vector.broadcast %jit3A_361 : f32 to vector<16xf32>
      %select_n3A_363 = arith.select %lt3A_8, %mul3A_360, %broadcast_in_dim3A_362 : vector<16xi1>, vector<16xf32>
      %reduce_sum3A_364 = arith.constant true
      %reduce_sum3A_365 = vector.broadcast %reduce_sum3A_364 : i1 to vector<16xi1>
      %reduce_sum3A_366 = tpu.scan <sum>, %select_n3A_363 masked %reduce_sum3A_365 : vector<16xf32>, vector<16xi1> -> vector<16xf32>
      %reduce_sum3A_367 = vector.extract %reduce_sum3A_366[15] : f32 from vector<16xf32>
      %eq3A_368 = arith.constant 7 : i32
      %eq3A_369 = vector.broadcast %eq3A_368 : i32 to vector<16xi32>
      %eq3A_370 = arith.cmpi eq, %iota3A, %eq3A_369 : vector<16xi32>
      %jit3A_371 = arith.constant 0.000000e+00 : f32
      %broadcast_in_dim3A_372 = vector.broadcast %jit3A_371 : f32 to vector<16xf32>
      %select_n3A_373 = arith.select %eq3A_370, %get3A_354, %broadcast_in_dim3A_372 : vector<16xi1>, vector<16xf32>
      %reduce_sum3A_374 = arith.constant true
      %reduce_sum3A_375 = vector.broadcast %reduce_sum3A_374 : i1 to vector<16xi1>
      %reduce_sum3A_376 = tpu.scan <sum>, %select_n3A_373 masked %reduce_sum3A_375 : vector<16xf32>, vector<16xi1> -> vector<16xf32>
      %reduce_sum3A_377 = vector.extract %reduce_sum3A_376[15] : f32 from vector<16xf32>
      %eq3A_378 = arith.constant 8 : i32
      %eq3A_379 = vector.broadcast %eq3A_378 : i32 to vector<16xi32>
      %eq3A_380 = arith.cmpi eq, %iota3A, %eq3A_379 : vector<16xi32>
      %jit3A_381 = arith.constant 0.000000e+00 : f32
      %broadcast_in_dim3A_382 = vector.broadcast %jit3A_381 : f32 to vector<16xf32>
      %select_n3A_383 = arith.select %eq3A_380, %get3A_354, %broadcast_in_dim3A_382 : vector<16xi1>, vector<16xf32>
      %reduce_sum3A_384 = arith.constant true
      %reduce_sum3A_385 = vector.broadcast %reduce_sum3A_384 : i1 to vector<16xi1>
      %reduce_sum3A_386 = tpu.scan <sum>, %select_n3A_383 masked %reduce_sum3A_385 : vector<16xf32>, vector<16xi1> -> vector<16xf32>
      %reduce_sum3A_387 = vector.extract %reduce_sum3A_386[15] : f32 from vector<16xf32>
      %eq3A_388 = arith.constant 9 : i32
      %eq3A_389 = vector.broadcast %eq3A_388 : i32 to vector<16xi32>
      %eq3A_390 = arith.cmpi eq, %iota3A, %eq3A_389 : vector<16xi32>
      %jit3A_391 = arith.constant 0.000000e+00 : f32
      %broadcast_in_dim3A_392 = vector.broadcast %jit3A_391 : f32 to vector<16xf32>
      %select_n3A_393 = arith.select %eq3A_390, %get3A_354, %broadcast_in_dim3A_392 : vector<16xi1>, vector<16xf32>
      %reduce_sum3A_394 = arith.constant true
      %reduce_sum3A_395 = vector.broadcast %reduce_sum3A_394 : i1 to vector<16xi1>
      %reduce_sum3A_396 = tpu.scan <sum>, %select_n3A_393 masked %reduce_sum3A_395 : vector<16xf32>, vector<16xi1> -> vector<16xf32>
      %reduce_sum3A_397 = vector.extract %reduce_sum3A_396[15] : f32 from vector<16xf32>
      %eq3A_398 = arith.constant 10 : i32
      %eq3A_399 = vector.broadcast %eq3A_398 : i32 to vector<16xi32>
      %eq3A_400 = arith.cmpi eq, %iota3A, %eq3A_399 : vector<16xi32>
      %jit3A_401 = arith.constant 0.000000e+00 : f32
      %broadcast_in_dim3A_402 = vector.broadcast %jit3A_401 : f32 to vector<16xf32>
      %select_n3A_403 = arith.select %eq3A_400, %get3A_354, %broadcast_in_dim3A_402 : vector<16xi1>, vector<16xf32>
      %reduce_sum3A_404 = arith.constant true
      %reduce_sum3A_405 = vector.broadcast %reduce_sum3A_404 : i1 to vector<16xi1>
      %reduce_sum3A_406 = tpu.scan <sum>, %select_n3A_403 masked %reduce_sum3A_405 : vector<16xf32>, vector<16xi1> -> vector<16xf32>
      %reduce_sum3A_407 = vector.extract %reduce_sum3A_406[15] : f32 from vector<16xf32>
      %add3A_408 = arith.addf %reduce_sum3A_397, %reduce_sum3A_377 : f32
      %sub3A_409 = arith.subf %add3A_408, %convert_element_type3A_347 : f32
      %eq3A_410 = arith.constant 7 : i32
      %eq3A_411 = vector.broadcast %eq3A_410 : i32 to vector<16xi32>
      %eq3A_412 = arith.cmpi eq, %iota3A, %eq3A_411 : vector<16xi32>
      %jit3A_413 = arith.constant 0.000000e+00 : f32
      %broadcast_in_dim3A_414 = vector.broadcast %jit3A_413 : f32 to vector<16xf32>
      %select_n3A_415 = arith.select %eq3A_412, %get3A_358, %broadcast_in_dim3A_414 : vector<16xi1>, vector<16xf32>
      %reduce_sum3A_416 = arith.constant true
      %reduce_sum3A_417 = vector.broadcast %reduce_sum3A_416 : i1 to vector<16xi1>
      %reduce_sum3A_418 = tpu.scan <sum>, %select_n3A_415 masked %reduce_sum3A_417 : vector<16xf32>, vector<16xi1> -> vector<16xf32>
      %reduce_sum3A_419 = vector.extract %reduce_sum3A_418[15] : f32 from vector<16xf32>
      %sub3A_420 = arith.subf %sub3A_409, %reduce_sum3A_419 : f32
      %add3A_421 = arith.addf %reduce_sum3A_407, %reduce_sum3A_387 : f32
      %sub3A_422 = arith.subf %add3A_421, %convert_element_type3A_350 : f32
      %eq3A_423 = arith.constant 8 : i32
      %eq3A_424 = vector.broadcast %eq3A_423 : i32 to vector<16xi32>
      %eq3A_425 = arith.cmpi eq, %iota3A, %eq3A_424 : vector<16xi32>
      %jit3A_426 = arith.constant 0.000000e+00 : f32
      %broadcast_in_dim3A_427 = vector.broadcast %jit3A_426 : f32 to vector<16xf32>
      %select_n3A_428 = arith.select %eq3A_425, %get3A_358, %broadcast_in_dim3A_427 : vector<16xi1>, vector<16xf32>
      %reduce_sum3A_429 = arith.constant true
      %reduce_sum3A_430 = vector.broadcast %reduce_sum3A_429 : i1 to vector<16xi1>
      %reduce_sum3A_431 = tpu.scan <sum>, %select_n3A_428 masked %reduce_sum3A_430 : vector<16xf32>, vector<16xi1> -> vector<16xf32>
      %reduce_sum3A_432 = vector.extract %reduce_sum3A_431[15] : f32 from vector<16xf32>
      %sub3A_433 = arith.subf %sub3A_422, %reduce_sum3A_432 : f32
      %sub3A_434 = arith.constant 1.000000e+00 : f32
      %sub3A_435 = arith.subf %sub3A_434, %reduce_max3A_331 : f32
      %sub3A_436 = arith.constant 1.000000e+00 : f32
      %sub3A_437 = arith.subf %sub3A_436, %reduce_max3A_331 : f32
      %mul3A_438 = arith.mulf %sub3A_435, %sub3A_437 : f32
      %gt3A_439 = arith.constant 0.000000e+00 : f32
      %gt3A_440 = arith.cmpf ogt, %reduce_sum3A_397, %gt3A_439 : f32
      %gt3A_441 = arith.constant 0.000000e+00 : f32
      %gt3A_442 = arith.cmpf ogt, %reduce_sum3A_407, %gt3A_441 : f32
      %and3A_443 = arith.andi %gt3A_440, %gt3A_442 : i1
      %lt3A_444 = arith.constant 1.280000e+02 : f32
      %lt3A_445 = arith.cmpf olt, %reduce_sum3A_397, %lt3A_444 : f32
      %and3A_446 = arith.andi %and3A_443, %lt3A_445 : i1
      %lt3A_447 = arith.constant 1.280000e+02 : f32
      %lt3A_448 = arith.cmpf olt, %reduce_sum3A_407, %lt3A_447 : f32
      %and3A_449 = arith.andi %and3A_446, %lt3A_448 : i1
      %mul3A_450 = arith.mulf %sub3A_420, %sub3A_420 : f32
      %add3A_451 = arith.addf %reduce_sum3A_367, %mul3A_450 : f32
      %mul3A_452 = arith.mulf %sub3A_433, %sub3A_433 : f32
      %add3A_453 = arith.addf %add3A_451, %mul3A_452 : f32
      %add3A_454 = arith.addf %add3A_453, %mul3A_438 : f32
      %jit3A_455 = arith.constant 0.000000e+00 : f32
      %select_n3A_456 = arith.select %and3A_449, %add3A_454, %jit3A_455 : f32
      %add3A_457 = arith.addf %add3A_307, %select_n3A_456 : f32
      %mul3A_458 = arith.constant 2 : i32
      %mul3A_459 = arith.muli %add3A_28, %mul3A_458 : i32
      %add3A_460 = arith.constant 1 : i32
      %add3A_461 = arith.addi %mul3A_459, %add3A_460 : i32
      %scan3A_462 = arith.constant 0 : i32
      %scan3A_463 = arith.constant 1024 : i32
      %scan3A_464 = arith.addi %scan3A_462, %scan3A_463 : i32
      %scan3A_465 = arith.constant 8 : i32
      %scan3A_466:3 = scf.for %scan3A_598 = %scan3A_462 to %scan3A_464 step %scan3A_465 iter_args(%scan3A_599 = %broadcast_in_dim3A_6, %scan3A_600 = %iota3A, %scan3A_601 = %iota3A) -> (vector<16xf32>, vector<16xi32>, vector<16xi32>)  : i32 {
        %mul3A_602 = arith.constant 16 : i32
        %mul3A_603 = arith.muli %scan3A_598, %mul3A_602 : i32
        %add3A_604 = arith.constant 16384 : i32
        %add3A_605 = arith.addi %add3A_604, %mul3A_603 : i32
        %get3A_606 = arith.index_cast %add3A_605 : i32 to index
        %get3A_607 = tpu.vector_load %arg7[%get3A_606] {strides = array<i32>} : memref<32768xf32, #tpu.memory_space<vmem>>, vector<16xf32>,
        %gt3A_608 = arith.cmpf ogt, %get3A_607, %scan3A_599 : vector<16xf32>
        %select_n3A_609 = arith.select %gt3A_608, %get3A_607, %scan3A_599 : vector<16xi1>, vector<16xf32>
        %select_n3A_610 = arith.select %gt3A_608, %scan3A_601, %scan3A_600 : vector<16xi1>, vector<16xi32>
        %add3A_611 = arith.constant 16 : i32
        %add3A_612 = vector.broadcast %add3A_611 : i32 to vector<16xi32>
        %add3A_613 = arith.addi %scan3A_601, %add3A_612 : vector<16xi32>
        %scan3A_614 = arith.constant 1 : i32
        %scan3A_615 = arith.addi %scan3A_598, %scan3A_614 : i32
        %mul3A_616 = arith.constant 16 : i32
        %mul3A_617 = arith.muli %scan3A_615, %mul3A_616 : i32
        %add3A_618 = arith.constant 16384 : i32
        %add3A_619 = arith.addi %add3A_618, %mul3A_617 : i32
        %get3A_620 = arith.index_cast %add3A_619 : i32 to index
        %get3A_621 = tpu.vector_load %arg7[%get3A_620] {strides = array<i32>} : memref<32768xf32, #tpu.memory_space<vmem>>, vector<16xf32>,
        %gt3A_622 = arith.cmpf ogt, %get3A_621, %select_n3A_609 : vector<16xf32>
        %select_n3A_623 = arith.select %gt3A_622, %get3A_621, %select_n3A_609 : vector<16xi1>, vector<16xf32>
        %select_n3A_624 = arith.select %gt3A_622, %add3A_613, %select_n3A_610 : vector<16xi1>, vector<16xi32>
        %add3A_625 = arith.constant 16 : i32
        %add3A_626 = vector.broadcast %add3A_625 : i32 to vector<16xi32>
        %add3A_627 = arith.addi %add3A_613, %add3A_626 : vector<16xi32>
        %scan3A_628 = arith.constant 2 : i32
        %scan3A_629 = arith.addi %scan3A_598, %scan3A_628 : i32
        %mul3A_630 = arith.constant 16 : i32
        %mul3A_631 = arith.muli %scan3A_629, %mul3A_630 : i32
        %add3A_632 = arith.constant 16384 : i32
        %add3A_633 = arith.addi %add3A_632, %mul3A_631 : i32
        %get3A_634 = arith.index_cast %add3A_633 : i32 to index
        %get3A_635 = tpu.vector_load %arg7[%get3A_634] {strides = array<i32>} : memref<32768xf32, #tpu.memory_space<vmem>>, vector<16xf32>,
        %gt3A_636 = arith.cmpf ogt, %get3A_635, %select_n3A_623 : vector<16xf32>
        %select_n3A_637 = arith.select %gt3A_636, %get3A_635, %select_n3A_623 : vector<16xi1>, vector<16xf32>
        %select_n3A_638 = arith.select %gt3A_636, %add3A_627, %select_n3A_624 : vector<16xi1>, vector<16xi32>
        %add3A_639 = arith.constant 16 : i32
        %add3A_640 = vector.broadcast %add3A_639 : i32 to vector<16xi32>
        %add3A_641 = arith.addi %add3A_627, %add3A_640 : vector<16xi32>
        %scan3A_642 = arith.constant 3 : i32
        %scan3A_643 = arith.addi %scan3A_598, %scan3A_642 : i32
        %mul3A_644 = arith.constant 16 : i32
        %mul3A_645 = arith.muli %scan3A_643, %mul3A_644 : i32
        %add3A_646 = arith.constant 16384 : i32
        %add3A_647 = arith.addi %add3A_646, %mul3A_645 : i32
        %get3A_648 = arith.index_cast %add3A_647 : i32 to index
        %get3A_649 = tpu.vector_load %arg7[%get3A_648] {strides = array<i32>} : memref<32768xf32, #tpu.memory_space<vmem>>, vector<16xf32>,
        %gt3A_650 = arith.cmpf ogt, %get3A_649, %select_n3A_637 : vector<16xf32>
        %select_n3A_651 = arith.select %gt3A_650, %get3A_649, %select_n3A_637 : vector<16xi1>, vector<16xf32>
        %select_n3A_652 = arith.select %gt3A_650, %add3A_641, %select_n3A_638 : vector<16xi1>, vector<16xi32>
        %add3A_653 = arith.constant 16 : i32
        %add3A_654 = vector.broadcast %add3A_653 : i32 to vector<16xi32>
        %add3A_655 = arith.addi %add3A_641, %add3A_654 : vector<16xi32>
        %scan3A_656 = arith.constant 4 : i32
        %scan3A_657 = arith.addi %scan3A_598, %scan3A_656 : i32
        %mul3A_658 = arith.constant 16 : i32
        %mul3A_659 = arith.muli %scan3A_657, %mul3A_658 : i32
        %add3A_660 = arith.constant 16384 : i32
        %add3A_661 = arith.addi %add3A_660, %mul3A_659 : i32
        %get3A_662 = arith.index_cast %add3A_661 : i32 to index
        %get3A_663 = tpu.vector_load %arg7[%get3A_662] {strides = array<i32>} : memref<32768xf32, #tpu.memory_space<vmem>>, vector<16xf32>,
        %gt3A_664 = arith.cmpf ogt, %get3A_663, %select_n3A_651 : vector<16xf32>
        %select_n3A_665 = arith.select %gt3A_664, %get3A_663, %select_n3A_651 : vector<16xi1>, vector<16xf32>
        %select_n3A_666 = arith.select %gt3A_664, %add3A_655, %select_n3A_652 : vector<16xi1>, vector<16xi32>
        %add3A_667 = arith.constant 16 : i32
        %add3A_668 = vector.broadcast %add3A_667 : i32 to vector<16xi32>
        %add3A_669 = arith.addi %add3A_655, %add3A_668 : vector<16xi32>
        %scan3A_670 = arith.constant 5 : i32
        %scan3A_671 = arith.addi %scan3A_598, %scan3A_670 : i32
        %mul3A_672 = arith.constant 16 : i32
        %mul3A_673 = arith.muli %scan3A_671, %mul3A_672 : i32
        %add3A_674 = arith.constant 16384 : i32
        %add3A_675 = arith.addi %add3A_674, %mul3A_673 : i32
        %get3A_676 = arith.index_cast %add3A_675 : i32 to index
        %get3A_677 = tpu.vector_load %arg7[%get3A_676] {strides = array<i32>} : memref<32768xf32, #tpu.memory_space<vmem>>, vector<16xf32>,
        %gt3A_678 = arith.cmpf ogt, %get3A_677, %select_n3A_665 : vector<16xf32>
        %select_n3A_679 = arith.select %gt3A_678, %get3A_677, %select_n3A_665 : vector<16xi1>, vector<16xf32>
        %select_n3A_680 = arith.select %gt3A_678, %add3A_669, %select_n3A_666 : vector<16xi1>, vector<16xi32>
        %add3A_681 = arith.constant 16 : i32
        %add3A_682 = vector.broadcast %add3A_681 : i32 to vector<16xi32>
        %add3A_683 = arith.addi %add3A_669, %add3A_682 : vector<16xi32>
        %scan3A_684 = arith.constant 6 : i32
        %scan3A_685 = arith.addi %scan3A_598, %scan3A_684 : i32
        %mul3A_686 = arith.constant 16 : i32
        %mul3A_687 = arith.muli %scan3A_685, %mul3A_686 : i32
        %add3A_688 = arith.constant 16384 : i32
        %add3A_689 = arith.addi %add3A_688, %mul3A_687 : i32
        %get3A_690 = arith.index_cast %add3A_689 : i32 to index
        %get3A_691 = tpu.vector_load %arg7[%get3A_690] {strides = array<i32>} : memref<32768xf32, #tpu.memory_space<vmem>>, vector<16xf32>,
        %gt3A_692 = arith.cmpf ogt, %get3A_691, %select_n3A_679 : vector<16xf32>
        %select_n3A_693 = arith.select %gt3A_692, %get3A_691, %select_n3A_679 : vector<16xi1>, vector<16xf32>
        %select_n3A_694 = arith.select %gt3A_692, %add3A_683, %select_n3A_680 : vector<16xi1>, vector<16xi32>
        %add3A_695 = arith.constant 16 : i32
        %add3A_696 = vector.broadcast %add3A_695 : i32 to vector<16xi32>
        %add3A_697 = arith.addi %add3A_683, %add3A_696 : vector<16xi32>
        %scan3A_698 = arith.constant 7 : i32
        %scan3A_699 = arith.addi %scan3A_598, %scan3A_698 : i32
        %mul3A_700 = arith.constant 16 : i32
        %mul3A_701 = arith.muli %scan3A_699, %mul3A_700 : i32
        %add3A_702 = arith.constant 16384 : i32
        %add3A_703 = arith.addi %add3A_702, %mul3A_701 : i32
        %get3A_704 = arith.index_cast %add3A_703 : i32 to index
        %get3A_705 = tpu.vector_load %arg7[%get3A_704] {strides = array<i32>} : memref<32768xf32, #tpu.memory_space<vmem>>, vector<16xf32>,
        %gt3A_706 = arith.cmpf ogt, %get3A_705, %select_n3A_693 : vector<16xf32>
        %select_n3A_707 = arith.select %gt3A_706, %get3A_705, %select_n3A_693 : vector<16xi1>, vector<16xf32>
        %select_n3A_708 = arith.select %gt3A_706, %add3A_697, %select_n3A_694 : vector<16xi1>, vector<16xi32>
        %add3A_709 = arith.constant 16 : i32
        %add3A_710 = vector.broadcast %add3A_709 : i32 to vector<16xi32>
        %add3A_711 = arith.addi %add3A_697, %add3A_710 : vector<16xi32>
        scf.yield %select_n3A_707, %select_n3A_708, %add3A_711 : vector<16xf32>, vector<16xi32>, vector<16xi32>
      }
      %scan3A_467 = arith.constant 1024 : i32
      %reduce_max3A_468 = arith.constant true
      %reduce_max3A_469 = vector.broadcast %reduce_max3A_468 : i1 to vector<16xi1>
      %reduce_max3A_470 = tpu.scan <max>, %scan3A_466#0 masked %reduce_max3A_469 : vector<16xf32>, vector<16xi1> -> vector<16xf32>
      %reduce_max3A_471 = vector.extract %reduce_max3A_470[15] : f32 from vector<16xf32>
      %eq3A_472 = vector.broadcast %reduce_max3A_471 : f32 to vector<16xf32>
      %eq3A_473 = arith.cmpf oeq, %scan3A_466#0, %eq3A_472 : vector<16xf32>
      %jit3A_474 = arith.constant 16384 : i32
      %broadcast_in_dim3A_475 = vector.broadcast %jit3A_474 : i32 to vector<16xi32>
      %select_n3A_476 = arith.select %eq3A_473, %scan3A_466#1, %broadcast_in_dim3A_475 : vector<16xi1>, vector<16xi32>
      %reduce_min3A_477 = arith.constant true
      %reduce_min3A_478 = vector.broadcast %reduce_min3A_477 : i1 to vector<16xi1>
      %reduce_min3A_479 = arith.constant -2147483648 : i32
      %reduce_min3A_480 = vector.broadcast %reduce_min3A_479 : i32 to vector<16xi32>
      %reduce_min3A_481 = arith.xori %select_n3A_476, %reduce_min3A_480 : vector<16xi32>
      %reduce_min3A_482 = tpu.scan <min>, %reduce_min3A_481 masked %reduce_min3A_478 : vector<16xi32>, vector<16xi1> -> vector<16xi32>
      %reduce_min3A_483 = arith.xori %reduce_min3A_482, %reduce_min3A_480 : vector<16xi32>
      %reduce_min3A_484 = vector.extract %reduce_min3A_483[15] : i32 from vector<16xi32>
      %shift_right_arithmetic3A_485 = arith.constant 7 : i32
      %shift_right_arithmetic3A_486 = arith.shrsi %reduce_min3A_484, %shift_right_arithmetic3A_485 : i32
      %convert_element_type3A_487 = arith.sitofp %shift_right_arithmetic3A_486 : i32 to f32
      %and3A_488 = arith.constant 127 : i32
      %and3A_489 = arith.andi %reduce_min3A_484, %and3A_488 : i32
      %convert_element_type3A_490 = arith.sitofp %and3A_489 : i32 to f32
      %mul3A_491 = arith.constant 11 : i32
      %mul3A_492 = arith.muli %add3A_461, %mul3A_491 : i32
      %get3A_493 = arith.index_cast %mul3A_492 : i32 to index
      %get3A_494 = tpu.vector_load %arg9[%get3A_493] {strides = array<i32>} : memref<720xf32, #tpu.memory_space<vmem>>, vector<16xf32>,
      %mul3A_495 = arith.constant 11 : i32
      %mul3A_496 = arith.muli %add3A_461, %mul3A_495 : i32
      %get3A_497 = arith.index_cast %mul3A_496 : i32 to index
      %get3A_498 = tpu.vector_load %arg8[%get3A_497] {strides = array<i32>} : memref<720xf32, #tpu.memory_space<vmem>>, vector<16xf32>,
      %sub3A_499 = arith.subf %get3A_498, %get3A_494 : vector<16xf32>
      %mul3A_500 = arith.mulf %sub3A_499, %sub3A_499 : vector<16xf32>
      %jit3A_501 = arith.constant 0.000000e+00 : f32
      %broadcast_in_dim3A_502 = vector.broadcast %jit3A_501 : f32 to vector<16xf32>
      %select_n3A_503 = arith.select %lt3A_8, %mul3A_500, %broadcast_in_dim3A_502 : vector<16xi1>, vector<16xf32>
      %reduce_sum3A_504 = arith.constant true
      %reduce_sum3A_505 = vector.broadcast %reduce_sum3A_504 : i1 to vector<16xi1>
      %reduce_sum3A_506 = tpu.scan <sum>, %select_n3A_503 masked %reduce_sum3A_505 : vector<16xf32>, vector<16xi1> -> vector<16xf32>
      %reduce_sum3A_507 = vector.extract %reduce_sum3A_506[15] : f32 from vector<16xf32>
      %eq3A_508 = arith.constant 7 : i32
      %eq3A_509 = vector.broadcast %eq3A_508 : i32 to vector<16xi32>
      %eq3A_510 = arith.cmpi eq, %iota3A, %eq3A_509 : vector<16xi32>
      %jit3A_511 = arith.constant 0.000000e+00 : f32
      %broadcast_in_dim3A_512 = vector.broadcast %jit3A_511 : f32 to vector<16xf32>
      %select_n3A_513 = arith.select %eq3A_510, %get3A_494, %broadcast_in_dim3A_512 : vector<16xi1>, vector<16xf32>
      %reduce_sum3A_514 = arith.constant true
      %reduce_sum3A_515 = vector.broadcast %reduce_sum3A_514 : i1 to vector<16xi1>
      %reduce_sum3A_516 = tpu.scan <sum>, %select_n3A_513 masked %reduce_sum3A_515 : vector<16xf32>, vector<16xi1> -> vector<16xf32>
      %reduce_sum3A_517 = vector.extract %reduce_sum3A_516[15] : f32 from vector<16xf32>
      %eq3A_518 = arith.constant 8 : i32
      %eq3A_519 = vector.broadcast %eq3A_518 : i32 to vector<16xi32>
      %eq3A_520 = arith.cmpi eq, %iota3A, %eq3A_519 : vector<16xi32>
      %jit3A_521 = arith.constant 0.000000e+00 : f32
      %broadcast_in_dim3A_522 = vector.broadcast %jit3A_521 : f32 to vector<16xf32>
      %select_n3A_523 = arith.select %eq3A_520, %get3A_494, %broadcast_in_dim3A_522 : vector<16xi1>, vector<16xf32>
      %reduce_sum3A_524 = arith.constant true
      %reduce_sum3A_525 = vector.broadcast %reduce_sum3A_524 : i1 to vector<16xi1>
      %reduce_sum3A_526 = tpu.scan <sum>, %select_n3A_523 masked %reduce_sum3A_525 : vector<16xf32>, vector<16xi1> -> vector<16xf32>
      %reduce_sum3A_527 = vector.extract %reduce_sum3A_526[15] : f32 from vector<16xf32>
      %eq3A_528 = arith.constant 9 : i32
      %eq3A_529 = vector.broadcast %eq3A_528 : i32 to vector<16xi32>
      %eq3A_530 = arith.cmpi eq, %iota3A, %eq3A_529 : vector<16xi32>
      %jit3A_531 = arith.constant 0.000000e+00 : f32
      %broadcast_in_dim3A_532 = vector.broadcast %jit3A_531 : f32 to vector<16xf32>
      %select_n3A_533 = arith.select %eq3A_530, %get3A_494, %broadcast_in_dim3A_532 : vector<16xi1>, vector<16xf32>
      %reduce_sum3A_534 = arith.constant true
      %reduce_sum3A_535 = vector.broadcast %reduce_sum3A_534 : i1 to vector<16xi1>
      %reduce_sum3A_536 = tpu.scan <sum>, %select_n3A_533 masked %reduce_sum3A_535 : vector<16xf32>, vector<16xi1> -> vector<16xf32>
      %reduce_sum3A_537 = vector.extract %reduce_sum3A_536[15] : f32 from vector<16xf32>
      %eq3A_538 = arith.constant 10 : i32
      %eq3A_539 = vector.broadcast %eq3A_538 : i32 to vector<16xi32>
      %eq3A_540 = arith.cmpi eq, %iota3A, %eq3A_539 : vector<16xi32>
      %jit3A_541 = arith.constant 0.000000e+00 : f32
      %broadcast_in_dim3A_542 = vector.broadcast %jit3A_541 : f32 to vector<16xf32>
      %select_n3A_543 = arith.select %eq3A_540, %get3A_494, %broadcast_in_dim3A_542 : vector<16xi1>, vector<16xf32>
      %reduce_sum3A_544 = arith.constant true
      %reduce_sum3A_545 = vector.broadcast %reduce_sum3A_544 : i1 to vector<16xi1>
      %reduce_sum3A_546 = tpu.scan <sum>, %select_n3A_543 masked %reduce_sum3A_545 : vector<16xf32>, vector<16xi1> -> vector<16xf32>
      %reduce_sum3A_547 = vector.extract %reduce_sum3A_546[15] : f32 from vector<16xf32>
      %add3A_548 = arith.addf %reduce_sum3A_537, %reduce_sum3A_517 : f32
      %sub3A_549 = arith.subf %add3A_548, %convert_element_type3A_487 : f32
      %eq3A_550 = arith.constant 7 : i32
      %eq3A_551 = vector.broadcast %eq3A_550 : i32 to vector<16xi32>
      %eq3A_552 = arith.cmpi eq, %iota3A, %eq3A_551 : vector<16xi32>
      %jit3A_553 = arith.constant 0.000000e+00 : f32
      %broadcast_in_dim3A_554 = vector.broadcast %jit3A_553 : f32 to vector<16xf32>
      %select_n3A_555 = arith.select %eq3A_552, %get3A_498, %broadcast_in_dim3A_554 : vector<16xi1>, vector<16xf32>
      %reduce_sum3A_556 = arith.constant true
      %reduce_sum3A_557 = vector.broadcast %reduce_sum3A_556 : i1 to vector<16xi1>
      %reduce_sum3A_558 = tpu.scan <sum>, %select_n3A_555 masked %reduce_sum3A_557 : vector<16xf32>, vector<16xi1> -> vector<16xf32>
      %reduce_sum3A_559 = vector.extract %reduce_sum3A_558[15] : f32 from vector<16xf32>
      %sub3A_560 = arith.subf %sub3A_549, %reduce_sum3A_559 : f32
      %add3A_561 = arith.addf %reduce_sum3A_547, %reduce_sum3A_527 : f32
      %sub3A_562 = arith.subf %add3A_561, %convert_element_type3A_490 : f32
      %eq3A_563 = arith.constant 8 : i32
      %eq3A_564 = vector.broadcast %eq3A_563 : i32 to vector<16xi32>
      %eq3A_565 = arith.cmpi eq, %iota3A, %eq3A_564 : vector<16xi32>
      %jit3A_566 = arith.constant 0.000000e+00 : f32
      %broadcast_in_dim3A_567 = vector.broadcast %jit3A_566 : f32 to vector<16xf32>
      %select_n3A_568 = arith.select %eq3A_565, %get3A_498, %broadcast_in_dim3A_567 : vector<16xi1>, vector<16xf32>
      %reduce_sum3A_569 = arith.constant true
      %reduce_sum3A_570 = vector.broadcast %reduce_sum3A_569 : i1 to vector<16xi1>
      %reduce_sum3A_571 = tpu.scan <sum>, %select_n3A_568 masked %reduce_sum3A_570 : vector<16xf32>, vector<16xi1> -> vector<16xf32>
      %reduce_sum3A_572 = vector.extract %reduce_sum3A_571[15] : f32 from vector<16xf32>
      %sub3A_573 = arith.subf %sub3A_562, %reduce_sum3A_572 : f32
      %sub3A_574 = arith.constant 1.000000e+00 : f32
      %sub3A_575 = arith.subf %sub3A_574, %reduce_max3A_471 : f32
      %sub3A_576 = arith.constant 1.000000e+00 : f32
      %sub3A_577 = arith.subf %sub3A_576, %reduce_max3A_471 : f32
      %mul3A_578 = arith.mulf %sub3A_575, %sub3A_577 : f32
      %gt3A_579 = arith.constant 0.000000e+00 : f32
      %gt3A_580 = arith.cmpf ogt, %reduce_sum3A_537, %gt3A_579 : f32
      %gt3A_581 = arith.constant 0.000000e+00 : f32
      %gt3A_582 = arith.cmpf ogt, %reduce_sum3A_547, %gt3A_581 : f32
      %and3A_583 = arith.andi %gt3A_580, %gt3A_582 : i1
      %lt3A_584 = arith.constant 1.280000e+02 : f32
      %lt3A_585 = arith.cmpf olt, %reduce_sum3A_537, %lt3A_584 : f32
      %and3A_586 = arith.andi %and3A_583, %lt3A_585 : i1
      %lt3A_587 = arith.constant 1.280000e+02 : f32
      %lt3A_588 = arith.cmpf olt, %reduce_sum3A_547, %lt3A_587 : f32
      %and3A_589 = arith.andi %and3A_586, %lt3A_588 : i1
      %mul3A_590 = arith.mulf %sub3A_560, %sub3A_560 : f32
      %add3A_591 = arith.addf %reduce_sum3A_507, %mul3A_590 : f32
      %mul3A_592 = arith.mulf %sub3A_573, %sub3A_573 : f32
      %add3A_593 = arith.addf %add3A_591, %mul3A_592 : f32
      %add3A_594 = arith.addf %add3A_593, %mul3A_578 : f32
      %jit3A_595 = arith.constant 0.000000e+00 : f32
      %select_n3A_596 = arith.select %and3A_589, %add3A_594, %jit3A_595 : f32
      %add3A_597 = arith.addf %add3A_457, %select_n3A_596 : f32
      scf.yield %add3A_597 : f32
    }
    %scan3A_19 = arith.constant 16 : i32
    %broadcast_in_dim3A_20 = vector.broadcast %scan3A_18 : f32 to vector<16xf32>
    %swap3A_21 = arith.constant 0 : index
    %swap3A_22 = tpu.vector_load %arg10[%swap3A_21] {strides = array<i32>} : memref<16xf32, #tpu.memory_space<vmem>>, vector<16xf32>,
    tpu.vector_store %arg10[%swap3A_21], %broadcast_in_dim3A_20 {strides = array<i32>} : memref<16xf32, #tpu.memory_space<vmem>>, vector<16xf32>,
    "tpu.region"() ({
      %run_scoped3A = tpu.sem_alloc : memref<!tpu.dma_semaphore, #tpu.memory_space<semaphore_mem>>
      %dma_start3A_23 = arith.constant 0 : i32
      %dma_start3A_24 = tpu.memref_slice %arg5[%add3A, %dma_start3A_23] : memref<32x16xf32, #tpu.memory_space<hbm>> -> memref<1x16xf32, #tpu.memory_space<hbm>>
      %dma_start3A_25 = tpu.memref_squeeze %dma_start3A_24 : memref<1x16xf32, #tpu.memory_space<hbm>> -> memref<16xf32, #tpu.memory_space<hbm>>
      %dma_start3A_26 = arith.constant 0 : i32
      %dma_start3A_27 = tpu.memref_slice %arg5[%add3A, %dma_start3A_26] : memref<32x16xf32, #tpu.memory_space<hbm>> -> memref<1x16xf32, #tpu.memory_space<hbm>>
      %dma_start3A_28 = tpu.memref_squeeze %dma_start3A_27 : memref<1x16xf32, #tpu.memory_space<hbm>> -> memref<16xf32, #tpu.memory_space<hbm>>
      tpu.enqueue_dma source(%arg10 : memref<16xf32, #tpu.memory_space<vmem>>) target(%dma_start3A_28 : memref<16xf32, #tpu.memory_space<hbm>>) target_semaphore(%run_scoped3A : memref<!tpu.dma_semaphore, #tpu.memory_space<semaphore_mem>>)
      %dma_wait3A = arith.constant 0 : i32
      %dma_wait3A_29 = tpu.memref_slice %arg5[%add3A, %dma_wait3A] : memref<32x16xf32, #tpu.memory_space<hbm>> -> memref<1x16xf32, #tpu.memory_space<hbm>>
      %dma_wait3A_30 = tpu.memref_squeeze %dma_wait3A_29 : memref<1x16xf32, #tpu.memory_space<hbm>> -> memref<16xf32, #tpu.memory_space<hbm>>
      %dma_wait3A_31 = arith.constant 0 : i32
      %dma_wait3A_32 = tpu.memref_slice %arg5[%add3A, %dma_wait3A_31] : memref<32x16xf32, #tpu.memory_space<hbm>> -> memref<1x16xf32, #tpu.memory_space<hbm>>
      %dma_wait3A_33 = tpu.memref_squeeze %dma_wait3A_32 : memref<1x16xf32, #tpu.memory_space<hbm>> -> memref<16xf32, #tpu.memory_space<hbm>>
      tpu.wait_dma2 semaphore(%run_scoped3A : memref<!tpu.dma_semaphore, #tpu.memory_space<semaphore_mem>>) src(%arg10 : memref<16xf32, #tpu.memory_space<vmem>>) dst(%dma_wait3A_33 : memref<16xf32, #tpu.memory_space<hbm>>)
      tpu.yield
    }) : () -> ()
    return
  }
}

</mosaic_0001>

<sc_bundles>
// kernel: kernel.3.cloned.1.call-start
scs
__scs_entry_jumppad:
0x0: {  	(pc) =	sbr.rel $0x88, $3  }
0x1: {  	(tag) =	ssettag $0x0;
	lr =	simm.s32 $0x1  }
0x2: {  	[smem:$0x3F9E] =	sst lr;
	_ =	strace $0xD0000000  }
0x3: {  	_ = 	snop  }
0x4: {  	_ = 	snop  }
0x5: {  	_ = 	snop  }
0x6: {  	_ = 	snop  }
0x7: {  	_ = 	snop  }
__scs_overlays_trampoline_lowered:
0x8: {  	[smem:$0x3FAD] =	sst s0  }
0x9: {  	[smem:$0x3FAE] =	sst s1  }
0xa: {  	[smem:$0x3FAF] =	sst s2  }
0xb: {  	[smem:$0x3FB0] =	sst s3  }
0xc: {  	[smem:$0x3FB1] =	sst s4  }
0xd: {  	[smem:$0x3FB2] =	sst s5  }
0xe: {  	[smem:$0x3FB3] =	sst s6  }
0xf: {  	[smem:$0x3FB4] =	sst s7  }
0x10: {  	[smem:$0x3FB5] =	sst s8  }
0x11: {  	[smem:$0x3FB6] =	sst s9;
	s0 =	simm.s32 @!p0 $0x0  }
0x12: {  	s1 =	sld [smem:$0x3F9C];
	s0 =	simm.s32 @p0 $0x1  }
0x13: {  	[smem:$0x3FB7] =	sst s0;
	s0 =	simm.s32 @!p1 $0x0  }
0x14: {  	s2 =	sld [smem:$0x3F9B];
	s0 =	simm.s32 @p1 $0x1  }
0x15: {  	[smem:$0x3FB8] =	sst s0;
	s0 =	simm.s32 @!p2 $0x0  }
0x16: {  	s3 =	sld [smem:$0x3FDB];
	s0 =	simm.s32 @p2 $0x1  }
0x17: {  	s4 =	simm.s32 $0x1BF5;
	[smem:$0x3FBA] =	sst s0  }
0x18: {  	s0 =	sld [smem:$0x3F9D];
	_ =	swait.ge [sflag:s4], $0x0  }
0x19: {  	s7 =	sld [smem:$0x3F9E]  }
0x1a: {  	s8 =	sadd.s32 $0xFFFFE003, lr  }
0x1b: {  	s9 =	sadd.s32 $0xFFFFFEF7, lr;
	s5 =	simm.s32 $0xFFFFFFFF;
	p2 =	slt.u32 s8, $0xFFFFF086  }
0x1c: {  	p1 =	slt.u32 s9, $0xF7A;
	s5 =	simm.s32 @!p2 $0x0  }
0x1d: {  	s5 =	simm.s32 @p1 $0x1;
	p0 =	seq.s32 s7, s2  }
0x1e: {  	s7 =	smul.u32 @!p0 $0xF7A, s2;
	p2 =	seq.s32 @!p0 s5, $0x0  }
0x1f: {  	s9 =	smul.u32 $0xF7A, s1;
	s8 =	simm.s32 @!p0 $0x1BF5;
	p2 =	por !p2, p0  }
0x20: {  	[sflag:s8] =	ssyncset.s32 @!p0 $0xFFFFF086;
	s6 =	sadd.s32 @!p0 s3, s7;
	s7 =	simm.s32 @!p0 $0x108  }
0x21: {  	s3 =	sadd.s32 s3, s9;
	s6 =	sadd.s32 @!p0 $0x88, s6;
	s7 =	simm.s32 @p2 $0x1082  }
0x22: {  	[simem:s7], [sflag:s8] =	dma.local @!p0 [hbm:s6], $0xF7A  }
0x23: {  	s9 =	sor.u32 $0xD0000000, s2;
	s6 =	simm.s32 $0x108;
	_ =	swait.ge @!p0 [sflag:s8], $0x0  }
0x24: {  	s3 =	sadd.s32 $0x88, s3;
	s6 =	simm.s32 @!p1 $0x1082;
	[sflag:s4] =	ssyncset.s32 $0xFFFFF086  }
0x25: {  	[simem:s6], [sflag:s4] =	dma.local [hbm:s3], $0xF7A  }
0x26: {  	[smem:$0x3F9E] =	sst s1;
	(tag) =	ssettag s2;
	_ =	strace s9  }
0x27: {  	s1 =	sld [smem:$0x3FAE]  }
0x28: {  	s2 =	sld [smem:$0x3FAF]  }
0x29: {  	s4 =	sld [smem:$0x3FB1]  }
0x2a: {  	p0 =	seq.s32 s5, $0x0;
	s5 =	sld [smem:$0x3FB2]  }
0x2b: {  	s6 =	sld [smem:$0x3FB3]  }
0x2c: {  	s7 =	sld [smem:$0x3FB4]  }
0x2d: {  	s3 =	simm.s32 $0x108;
	s8 =	sld [smem:$0x3FB5]  }
0x2e: {  	s3 =	simm.s32 @!p0 $0x1082;
	s9 =	sld [smem:$0x3FB6]  }
0x2f: {  	lr =	sadd.s32 s0, s3;
	s0 =	sld [smem:$0x3FAD]  }
0x30: {  	s3 =	sld [smem:$0x3FB0]  }
0x31: {  	[smem:$0x3FB9] =	sst s10  }
0x32: {  	s10 =	sld [smem:$0x3FB7];
	_ =	sdelay $0x3  }
0x33: {  	p0 =	seq.s32 s10, $0x1;
	s10 =	sld [smem:$0x3FB9];
	_ =	sdelay $0x3  }
0x34: {  	[smem:$0x3FB9] =	sst s10  }
0x35: {  	s10 =	sld [smem:$0x3FB8];
	_ =	sdelay $0x3  }
0x36: {  	p1 =	seq.s32 s10, $0x1;
	s10 =	sld [smem:$0x3FB9];
	_ =	sdelay $0x3  }
0x37: {  	[smem:$0x3FB9] =	sst s10  }
0x38: {  	s10 =	sld [smem:$0x3FBA]  }
0x39: {  	_ = 	snop;
	(pc) =	sbr.ind lr, $3  }
0x3a: {  	_ = 	snop  }
0x3b: {  	_ = 	snop  }
0x3c: {  	p2 =	seq.s32 s10, $0x1;
	s10 =	sld [smem:$0x3FB9]  }
0x3d: {  	_ =	shalt  }
0x3e: {  	_ =	shalt  }
0x3f: {  	_ =	shalt  }
0x40: {  	_ =	shalt  }
0x41: {  	_ =	shalt  }
0x42: {  	_ =	shalt  }
0x43: {  	_ =	shalt  }
0x44: {  	_ =	shalt  }
0x45: {  	_ =	shalt  }
0x46: {  	_ =	shalt  }
0x47: {  	_ =	shalt  }
0x48: {  	_ =	shalt  }
0x49: {  	_ =	shalt  }
0x4a: {  	_ =	shalt  }
0x4b: {  	_ =	shalt  }
0x4c: {  	_ =	shalt  }
0x4d: {  	_ =	shalt  }
0x4e: {  	_ =	shalt  }
0x4f: {  	_ =	shalt  }
0x50: {  	_ =	shalt  }
0x51: {  	_ =	shalt  }
0x52: {  	_ =	shalt  }
0x53: {  	_ =	shalt  }
0x54: {  	_ =	shalt  }
0x55: {  	_ =	shalt  }
0x56: {  	_ =	shalt  }
0x57: {  	_ =	shalt  }
0x58: {  	_ =	shalt  }
0x59: {  	_ =	shalt  }
0x5a: {  	_ =	shalt  }
0x5b: {  	_ =	shalt  }
0x5c: {  	_ =	shalt  }
0x5d: {  	_ =	shalt  }
0x5e: {  	_ =	shalt  }
0x5f: {  	_ =	shalt  }
0x60: {  	_ =	shalt  }
0x61: {  	_ =	shalt  }
0x62: {  	_ =	shalt  }
0x63: {  	_ =	shalt  }
0x64: {  	_ =	shalt  }
0x65: {  	_ =	shalt  }
0x66: {  	_ =	shalt  }
0x67: {  	_ =	shalt  }
0x68: {  	_ =	shalt  }
0x69: {  	_ =	shalt  }
0x6a: {  	_ =	shalt  }
0x6b: {  	_ =	shalt  }
0x6c: {  	_ =	shalt  }
0x6d: {  	_ =	shalt  }
0x6e: {  	_ =	shalt  }
0x6f: {  	_ =	shalt  }
0x70: {  	_ =	shalt  }
0x71: {  	_ =	shalt  }
0x72: {  	_ =	shalt  }
0x73: {  	_ =	shalt  }
0x74: {  	_ =	shalt  }
0x75: {  	_ =	shalt  }
0x76: {  	_ =	shalt  }
0x77: {  	_ =	shalt  }
0x78: {  	_ =	shalt  }
0x79: {  	_ =	shalt  }
0x7a: {  	_ =	shalt  }
0x7b: {  	_ =	shalt  }
0x7c: {  	_ =	shalt  }
0x7d: {  	_ =	shalt  }
0x7e: {  	_ =	shalt  }
0x7f: {  	_ =	shalt  }
0x80: {  	_ =	shalt  }
0x81: {  	_ =	shalt  }
0x82: {  	_ =	shalt  }
0x83: {  	_ =	shalt  }
0x84: {  	_ =	shalt  }
0x85: {  	_ =	shalt  }
0x86: {  	_ =	shalt  }
0x87: {  	_ =	shalt  }
.Lfunc_end0:
.L_simem_size_0:
called_computation_lowered:
.L_overlay_start_0:
0x88: {  	s2 =	sld [smem:$0x3FD9]  }
0x89: {  	s3 =	sld [smem:$0x3FFE];
	_ =	sdelay $0x1  }
0x8a: {  	s1 =	srdreg.scid  }
0x8b: {  	s0 =	sand.u32 $0x1, s1  }
0x8c: {  	s17 =	sshll.u32 s0, $0xA;
	s2 =	sadd.s32 s3, s2  }
0x8d: {  	s2 =	sadd.s32 s2, s17  }
0x8e: {  	[smem:$0x3FC5] =	sst s2  }
0x8f: {  	_ = 	snop  }
0x90: {  	s2 =	sld [smem:$0x3FC7];
	(tm) =	ssettm $0x1  }
0x91: {  	s18 =	sld [smem:$0x3FFB];
	_ =	sdelay $0x3  }
0x92: {  	_ =	strace s18  }
0x93: {  	s3 =	sld [smem:$0x3FFC];
	_ =	sdelay $0x3  }
0x94: {  	_ =	strace s3  }
0x95: {  	s3 =	sld [smem:$0x3FFD];
	_ =	sdelay $0x3  }
0x96: {  	_ =	strace s3  }
0x97: {  	_ =	strace $0x8FFFFFFF  }
0x98: {  	s19 =	sld [smem:$0x3FDB];
	_ =	sdelay $0x1  }
0x99: {  	s4 =	simm.s32 $_scs_section_size  }
0x9a: {  	s5 =	simm.s32 $_size__tile_overlayer_lowered;
	s6 =	simm.s32 $_tile_overlayer_lowered  }
0x9b: {  	s22 =	simm.s32 $0x1BFF;
	s21 =	sshll.u32 s6, $0x1;
	s3 =	sadd.s32 s4, s19  }
0x9c: {  	s7 =	simm.s32 $0x0;
	s20 =	sshll.u32 s5, $0x1;
	s5 =	sadd.s32 s21, s3  }
0x9d: {  	[timem:s7], [sflag:s22] =	dma.local [hbm:s5], s20  }
0x9e: {  	_ =	swait.ge [sflag:s22], s20  }
0x9f: {  	s4 =	ssub.s32 $0x0, s20;
	[sflag:s22] =	ssyncset.done $0x0  }
0xa0: {  	[sflag:s22] =	ssyncadd.s32 s4;
	_ =	sdelay $0x1  }
0xa1: {  	s23 =	simm.s32 $0x1B8B  }
0xa2: {  	_ =	swait.ge [sflag:s23], $0x1  }
0xa3: {  	[sflag:s23] =	ssyncset.done $0x0  }
0xa4: {  	s25 =	simm.s32 $0x1B8E;
	s24 =	sld [smem:$0x3FFE];
	[sflag:s23] =	ssyncadd.s32 $0xFFFFFFFF  }
0xa5: {  	s26 =	simm.s32 $execute0_lowered;
	[smem:$0x3FD2] =	sst s25  }
0xa6: {  	s5 =	sshll.u32 s26, $0x1;
	_ =	strace $0x80000046;
	[dreg:$0x1] =	wrdreg $0xFFFFFFFF  }
0xa7: {  	s28 =	simm.s32 $_size_execute0_lowered;
	s3 =	sadd.s32 s3, s5;
	[dreg:$0x0] =	wrdreg $0x0  }
0xa8: {  	s5 =	sshll.u32 s28, $0x1;
	[dreg:$0x2] =	wrdreg s3  }
0xa9: {  	[dreg:$0x3] =	wrdreg s5  }
0xaa: {  	[dreg:$0x4] =	wrdreg $0xC0  }
0xab: {  	_ =	task [dreg:s7], $0x5FFFF  }
0xac: {  	[dreg:$0x1] =	wrdreg $0xFFFFFFFF  }
0xad: {  	[dreg:$0x0] =	wrdreg $0x60  }
0xae: {  	[dreg:$0x2] =	wrdreg s2  }
0xaf: {  	[dreg:$0x3] =	wrdreg s24  }
0xb0: {  	[dreg:$0x4] =	wrdreg $0x9  }
0xb1: {  	_ =	task.clear_ibuf [dreg:s7], $0x5FFFF;
	_ =	strace $0x90000046  }
0xb2: {  	s29 =	simm.s32 $0x9;
	_ =	strace $0x80000048  }
0xb3: {  	_ =	swait.ge [sflag:s29], $0x1  }
0xb4: {  	[sflag:s29] =	ssyncadd.s32 $0xFFFFFFFF  }
0xb5: {  	_ =	strace $0x90000048  }
0xb6: {  	_ =	sfence  }
0xb7: {  	s30 =	sld [smem:$0x0];
	_ =	sdelay $0x2  }
0xb8: {  	s31 =	sshll.u32 s1, $0xD;
	s1 =	sshrl.u32 s1, $0x2  }
0xb9: {  	s3 =	sand.u32 $0x4000, s31;
	s1 =	sadd.s32 s1, s30  }
0xba: {  	s0 =	sor.u32 s3, s0;
	s1 =	sshll.u32 s1, $0x11  }
0xbb: {  	s0 =	sor.u32 s1, s0  }
0xbc: {  	s0 =	sadd.s32 $0x8F2B, s0  }
0xbd: {  	[sflag:s0] =	ssyncadd.remote.s32 $0x1  }
0xbe: {  	_ =	sfence.sel $0xFFFF  }
0xbf: {  	[dreg:$0x0] =	wrdreg $0xFFFFFFFF;
	(pc) =	sbr.abs _section_cstart, $3  }
0xc0: {  	[dreg:$0x1] =	wrdreg $0xFFFFFFFF  }
0xc1: {  	_ =	task.clear_ibuf [dreg:s7], $0x2FFFF;
	_ =	strace $0x9FFFFFFF  }
0xc2: {  	(tm) =	ssettm $0x7FFFFFFF  }
0xc3: {  	_ =	shalt  }
tec
execute0_lowered:
.L_overlay_start_1:
0x0: {  	(tag) =	ssettag $0x1  }
0x1: {  	s2 =	rddreg [dreg:$0x0]  }
0x2: {  	s0 =	srdreg.scid;
	s5 =	rddreg [dreg:$0x1]  }
0x3: {  	s31 =	stileid.u32;
	s3 =	simm.s32 $0x0;
	s12 =	simm.s32 $0x3  }
0x4: {  	s14 =	simm.s32 $0x8000;
	s15 =	simm.s32 $0x1;
	s4 =	sand.u32 $0x1, s0  }
0x5: {  	s16 =	simm.s32 $0x2;
	s17 =	simm.s32 $0x105A0;
	s6 =	sshll.u32 s4, $0x4  }
0x6: {  	s18 =	simm.s32 $0x0;
	s4 =	ssub.s32 $0x2, s4;
	s7 =	sor.u32 s31, s6  }
0x7: {  	[smem:$0x7FF] =	sst s3;
	s9 =	sshrl.u32 s4, $0x1;
	s6 =	smul.u32 $0x58, s7  }
0x8: {  	_ =	strace $0x80000047;
	s8 =	sshll.u32 s7, $0x1;
	s11 =	ssub.s32 s4, s9  }
0x9: {  	s10 =	sadd.s32 s8, s5;
	s4 =	sadd.s32 s5, s6;
	s6 =	sshll.u32 s7, $0x14  }
0xa: {  	v0 =	vimm.f32 $0.0e+00;
	vm0 =	vmmov $0x7f;
	vm1 =	vcmask $0x1B20;
	s7 =	sshll.u32 s7, $0x11;
	s9 =	sadd.s32 $0x1800, s10;
	s10 =	smax.u32 s11, $0x1  }
0xb: {  	vm2 =	vcmask $0x1F24;
	vm3 =	vcmask $0x2328;
	vm4 =	vcmask $0x272C;
	s5 =	sadd.s32 $0xC00, s4;
	s7 =	sadd.s32 s2, s7;
	s8 =	sor.u32 $0x10000, s6  }
.LBB2_1:
0xc: {  	s0 =	simm.s32 $0x10000  }
0xd: {  	[tilespmem:s0], [sflag:$0x3] =	stream.linear.gather [hbm4b:s4+s3], $0x2C0, $0x38;
	[tilespmem:$0x105B0] =	vst v63  }
0xe: {  	_ =	swait.ge [sflag:s12], $0x2C0  }
0xf: {  	[sflag:s12] =	ssyncset.done $0x0  }
0x10: {  	s31 =	simm.s32 $0x102D0;
	[sflag:s12] =	ssyncadd.s32 $0xFFFFFD40  }
0x11: {  	[tilespmem:s31], [sflag:$0x3] =	stream.linear.gather [hbm4b:s5+s3], $0x2C0, $0x38;
	[tilespmem:$0x105B0] =	vst v63  }
0x12: {  	_ =	swait.ge [sflag:s12], $0x2C0  }
0x13: {  	[sflag:s12] =	ssyncset.done $0x0  }
0x14: {  	[sflag:s12] =	ssyncadd.s32 $0xFFFFFD40  }
0x15: {  	[tilespmem:$0x102C0] =	vst v0  }
0x16: {  	s21 =	simm.f32 $0.0e+00;
	s19 =	simm.s32 $0x0;
	[tilespmem:$0x10590] =	vst v0  }
0x17: {  	[tilespmem:s3], [sflag:$0x1] =	stream.linear.gather [hbm4b:s7+s3], $0x8000, $0x38;
	[tilespmem:$0x105B0] =	vst v63  }
.LBB2_2:
0x18: {  	s20 =	sshllo.u32 s19, $0x1  }
0x19: {  	s22 =	sshll.u32 s20, $0xF  }
0x1a: {  	s22 =	sadd.s32 s6, s22  }
0x1b: {  	s22 =	sshrl.u32 s22, $0x3  }
0x1c: {  	s22 =	sadd.s32 s2, s22  }
0x1d: {  	[tilespmem:s14], [sflag:$0x2] =	stream.linear.gather [hbm4b:s22+s3], $0x8000, $0x38;
	[tilespmem:$0x105B0] =	vst v63  }
0x1e: {  	_ =	swait.ge [sflag:s15], $0x8000  }
0x1f: {  	[sflag:s15] =	ssyncset.done $0x0  }
0x20: {  	s23 =	simm.s32 $0x40;
	[sflag:s15] =	ssyncadd.s32 $0xFFFF8000  }
0x21: {  	v1 =	vld [tilespmem:s23+$0xFFFFFFC0];
	_ =	sdelay $0x1  }
0x22: {  	v2 =	vld [tilespmem:s23+$0xFFFFFFD0];
	_ =	sdelay $0x1  }
0x23: {  	v3 =	vimm.f32 $-Inf;
	v4 =	vld [tilespmem:s23+$0xFFFFFFE0]  }
0x24: {  	vm5 =	vgt.f32 v1, v3  }
0x25: {  	v1 =	vsel vm5, v1, v3;
	v3 =	vld [tilespmem:s23+$0xFFFFFFF0]  }
0x26: {  	vm6 =	vgt.f32 v2, v1  }
0x27: {  	v2 =	vsel vm6, v2, v1  }
0x28: {  	vm7 =	vgt.f32 v4, v2  }
0x29: {  	v5 =	vld [tilespmem:s23+$0x0];
	v1 =	vlaneseq.u32;
	v4 =	vsel vm7, v4, v2  }
0x2a: {  	v6 =	vsel vm5, v1, v1;
	v7 =	vadd.s32 $0x10, v1;
	vm5 =	vgt.f32 v3, v4  }
0x2b: {  	v2 =	vld [tilespmem:s23+$0x10];
	v6 =	vsel vm6, v7, v6;
	v3 =	vsel vm5, v3, v4;
	v4 =	vadd.s32 $0x20, v1  }
0x2c: {  	v4 =	vsel vm7, v4, v6;
	v6 =	vadd.s32 $0x30, v1  }
0x2d: {  	v6 =	vsel vm5, v6, v4;
	v4 =	vld [tilespmem:s23+$0x20]  }
0x2e: {  	vm6 =	vgt.f32 v5, v3  }
0x2f: {  	v7 =	vadd.s32 $0x40, v1;
	v5 =	vsel vm6, v5, v3;
	v3 =	vld [tilespmem:s23+$0x30]  }
0x30: {  	s22 =	simm.s32 $0x0;
	s23 =	simm.s32 $0xC0;
	v6 =	vsel vm6, v7, v6;
	v7 =	vadd.s32 $0x50, v1;
	vm5 =	vgt.f32 v2, v5  }
.LBB2_3:
0x31: {  	v8 =	vld [tilespmem:s23+$0xFFFFFFC0];
	s22 =	sadd.s32 $0x8, s22;
	v2 =	vsel vm5, v2, v5;
	v5 =	vsel vm5, v7, v6  }
0x32: {  	v6 =	vadd.s32 $0x60, v1;
	p0 =	slt.u32 s22, $0x3F8;
	vm5 =	vgt.f32 v4, v2  }
0x33: {  	v7 =	vld [tilespmem:s23+$0xFFFFFFD0];
	v2 =	vsel vm5, v4, v2;
	v4 =	vsel vm5, v6, v5  }
0x34: {  	v5 =	vadd.s32 $0x70, v1;
	vm5 =	vgt.f32 v3, v2  }
0x35: {  	v6 =	vld [tilespmem:s23+$0xFFFFFFE0];
	v2 =	vsel vm5, v3, v2;
	v3 =	vsel vm5, v5, v4  }
0x36: {  	v1 =	vadd.s32 $0x80, v1;
	vm5 =	vgt.f32 v8, v2  }
0x37: {  	v2 =	vsel vm5, v8, v2;
	v3 =	vsel vm5, v1, v3;
	v4 =	vld [tilespmem:s23+$0xFFFFFFF0]  }
0x38: {  	v5 =	vadd.s32 $0x10, v1;
	vm5 =	vgt.f32 v7, v2  }
0x39: {  	v2 =	vsel vm5, v7, v2;
	v3 =	vsel vm5, v5, v3;
	v5 =	vld [tilespmem:s23+$0x0]  }
0x3a: {  	v7 =	vadd.s32 $0x20, v1;
	vm5 =	vgt.f32 v6, v2  }
0x3b: {  	v6 =	vsel vm5, v6, v2;
	v3 =	vsel vm5, v7, v3;
	v2 =	vld [tilespmem:s23+$0x10]  }
.Ltmp0:
0x3c: {  	v7 =	vadd.s32 $0x30, v1;
	vm5 =	vgt.f32 v4, v6;
	(pc) =	sbr.rel @p0 .LBB2_3-.Ltmp0, $4  }
0x3d: {  	v6 =	vsel vm5, v4, v6;
	v3 =	vsel vm5, v7, v3;
	v4 =	vld [tilespmem:s23+$0x20]  }
0x3e: {  	v7 =	vadd.s32 $0x40, v1;
	vm5 =	vgt.f32 v5, v6  }
0x3f: {  	v5 =	vsel vm5, v5, v6;
	v6 =	vsel vm5, v7, v3;
	v3 =	vld [tilespmem:s23+$0x30]  }
0x40: {  	v7 =	vadd.s32 $0x50, v1;
	s23 =	sadd.s32 $0x80, s23;
	vm5 =	vgt.f32 v2, v5  }
0x41: {  	s24 =	simm.s32 $0x4070  }
0x42: {  	v8 =	vld [tilespmem:s24+$0xFFFFFF90];
	_ =	sdelay $0x1  }
0x43: {  	v9 =	vld [tilespmem:s24+$0xFFFFFFA0];
	_ =	sdelay $0x1  }
0x44: {  	v10 =	vimm.f32 $-Inf;
	v2 =	vsel vm5, v2, v5  }
0x45: {  	v5 =	vsel vm5, v7, v6;
	v11 =	vld [tilespmem:s24+$0xFFFFFFB0];
	vm5 =	vgt.f32 v4, v2;
	vm6 =	vgt.f32 v8, v10  }
0x46: {  	v2 =	vsel vm5, v4, v2;
	v6 =	vsel vm6, v8, v10  }
0x47: {  	v7 =	vld [tilespmem:s24+$0xFFFFFFC0];
	v8 =	vadd.s32 $0x60, v1;
	v1 =	vadd.s32 $0x70, v1;
	vm7 =	vgt.f32 v9, v6  }
0x48: {  	v5 =	vsel vm5, v8, v5;
	vm5 =	vgt.f32 v3, v2;
	v6 =	vsel vm7, v9, v6  }
0x49: {  	v8 =	vld [tilespmem:s24+$0xFFFFFFD0];
	v4 =	vsel vm5, v3, v2;
	v5 =	vsel vm5, v1, v5;
	v1 =	vlaneseq.u32  }
0x4a: {  	vm8 =	vgt.f32 v11, v6;
	v3 =	vsel vm6, v1, v1;
	v9 =	vadd.s32 $0x10, v1  }
0x4b: {  	v10 =	vadd.s32 $0x20, v1;
	v2 =	vsel vm8, v11, v6;
	v6 =	vld [tilespmem:s24+$0xFFFFFFE0];
	v9 =	vsel vm7, v9, v3  }
0x4c: {  	s22 =	smul.u32 $0x2C, s19;
	vm5 =	vgt.f32 v7, v2;
	v9 =	vsel vm8, v10, v9;
	v10 =	vadd.s32 $0x30, v1  }
0x4d: {  	v7 =	vsel vm5, v7, v2;
	v10 =	vsel vm5, v10, v9;
	v9 =	vld [tilespmem:s24+$0xFFFFFFF0]  }
0x4e: {  	v3 =	vld [tilespmem:s22+$0x102D0];
	vm6 =	vgt.f32 v8, v7  }
0x4f: {  	v12 =	vadd.s32 $0x40, v1;
	v11 =	vsel vm6, v8, v7;
	v8 =	vld [tilespmem:s24+$0x0]  }
0x50: {  	s23 =	simm.s32 $0x0;
	v2 =	vld [tilespmem:s22+$0x10000];
	v7 =	vsel vm6, v12, v10;
	v10 =	vadd.s32 $0x50, v1;
	s24 =	simm.s32 $0x40F0;
	vm5 =	vgt.f32 v6, v11  }
.LBB2_5:
0x51: {  	v12 =	vld [tilespmem:s24+$0xFFFFFF90];
	s23 =	sadd.s32 $0x8, s23;
	v6 =	vsel vm5, v6, v11;
	v7 =	vsel vm5, v10, v7  }
0x52: {  	v10 =	vadd.s32 $0x60, v1;
	p0 =	slt.u32 s23, $0x3F8;
	vm5 =	vgt.f32 v9, v6  }
0x53: {  	v11 =	vld [tilespmem:s24+$0xFFFFFFA0];
	v6 =	vsel vm5, v9, v6;
	v7 =	vsel vm5, v10, v7  }
0x54: {  	v9 =	vadd.s32 $0x70, v1;
	vm5 =	vgt.f32 v8, v6  }
0x55: {  	v10 =	vld [tilespmem:s24+$0xFFFFFFB0];
	v6 =	vsel vm5, v8, v6;
	v7 =	vsel vm5, v9, v7  }
0x56: {  	v1 =	vadd.s32 $0x80, v1;
	vm5 =	vgt.f32 v12, v6  }
0x57: {  	v6 =	vsel vm5, v12, v6;
	v7 =	vsel vm5, v1, v7;
	v8 =	vld [tilespmem:s24+$0xFFFFFFC0]  }
0x58: {  	v9 =	vadd.s32 $0x10, v1;
	vm5 =	vgt.f32 v11, v6  }
0x59: {  	v6 =	vsel vm5, v11, v6;
	v7 =	vsel vm5, v9, v7;
	v11 =	vld [tilespmem:s24+$0xFFFFFFD0]  }
0x5a: {  	v9 =	vadd.s32 $0x20, v1;
	vm5 =	vgt.f32 v10, v6  }
0x5b: {  	v10 =	vsel vm5, v10, v6;
	v7 =	vsel vm5, v9, v7;
	v6 =	vld [tilespmem:s24+$0xFFFFFFE0]  }
.Ltmp1:
0x5c: {  	v9 =	vadd.s32 $0x30, v1;
	vm5 =	vgt.f32 v8, v10;
	(pc) =	sbr.rel @p0 .LBB2_5-.Ltmp1, $4  }
0x5d: {  	v8 =	vsel vm5, v8, v10;
	v7 =	vsel vm5, v9, v7;
	v9 =	vld [tilespmem:s24+$0xFFFFFFF0]  }
0x5e: {  	v10 =	vadd.s32 $0x40, v1;
	vm5 =	vgt.f32 v11, v8  }
0x5f: {  	v11 =	vsel vm5, v11, v8;
	v7 =	vsel vm5, v10, v7;
	v8 =	vld [tilespmem:s24+$0x0]  }
0x60: {  	v10 =	vadd.s32 $0x50, v1;
	s24 =	sadd.s32 $0x80, s24;
	vm5 =	vgt.f32 v6, v11  }
0x61: {  	(xrf0) =	vmax.scan.msk.f32 $0xffff, v4;
	_ =	sdelay $0x5  }
0x62: {  	v12, _, _ =	vpop (xrf0)  }
0x63: {  	v14 =	vsub.f32 v2, v3;
	v13 =	vbroadcast v12, $0xF;
	_ =	sdelay $0x1  }
0x64: {  	vm6 =	veq.f32 v4, v13;
	v4 =	vxor.u32 $0x80000000, v5;
	v5 =	vmul.f32 v14, v14  }
0x65: {  	v6 =	vsel vm5, v6, v11;
	v4 =	vnsel vm6, $0x80004000, v4  }
0x66: {  	vm6 =	vgt.f32 v9, v6;
	(xrf0) =	vmin.scan.msk.u32 $0xffff, v4;
	v4 =	vnsel vm0, $0x0, v5  }
0x67: {  	v63 =	vld [tilespmem:s22+$0x1000B];
	v5 =	vsel vm6, v9, v6;
	(xrf2) =	vadd.scan.msk.f32 $0xffff, v4;
	v4 =	vsel vm1, $0x0, v3  }
0x68: {  	v6 =	vld [tilespmem:s22+$0x102DB];
	vm7 =	vgt.f32 v8, v5;
	(xrf2) =	vadd.scan.msk.f32 $0xffff, v4;
	v4 =	vsel vm2, $0x0, v3  }
0x69: {  	v5 =	vsel vm7, v8, v5;
	(xrf2) =	vadd.scan.msk.f32 $0xffff, v4  }
0x6a: {  	v4 =	vsel vm3, $0x0, v3;
	(xrf0) =	vmax.scan.msk.f32 $0xffff, v5  }
0x6b: {  	v3 =	vsel vm4, $0x0, v3;
	(xrf2) =	vadd.scan.msk.f32 $0xffff, v4  }
0x6c: {  	(xrf2) =	vadd.scan.msk.f32 $0xffff, v3;
	v3 =	vsel vm1, $0x0, v2  }
0x6d: {  	v2 =	vsel vm2, $0x0, v2;
	(xrf2) =	vadd.scan.msk.f32 $0xffff, v3;
	v3 =	vsub.f32 v63, v6  }
0x6e: {  	v4 =	vsel vm5, v10, v7;
	v7 =	vadd.s32 $0x60, v1  }
0x6f: {  	v3 =	vmul.f32 v3, v3  }
0x70: {  	(xrf2) =	vadd.scan.msk.f32 $0xffff, v2;
	v2, _, _ =	vpop (xrf0)  }
0x71: {  	(v2sf) =	vpush v12, $0xF;
	v4 =	vsel vm6, v7, v4;
	v7, _, _ =	vpop (xrf0);
	v3 =	vnsel vm0, $0x0, v3  }
0x72: {  	v1 =	vadd.s32 $0x70, v1;
	(v2sf) =	vpush v2, $0xF;
	v8 =	vbroadcast v7, $0xF;
	v2, _, _ =	vpop (xrf2)  }
0x73: {  	v1 =	vsel vm7, v1, v4;
	(xrf2) =	vadd.scan.msk.f32 $0xffff, v3;
	(v2sf) =	vpush v2, $0xF;
	v2 =	vsel vm1, $0x0, v6  }
0x74: {  	v1 =	vxor.u32 $0x80000000, v1;
	vm5 =	veq.f32 v5, v8;
	v3, _, _ =	vpop (xrf2);
	(xrf2) =	vadd.scan.msk.f32 $0xffff, v2;
	v2 =	vsel vm2, $0x0, v6  }
0x75: {  	v1 =	vnsel vm5, $0x80004000, v1  }
0x76: {  	(v2sf) =	vpush v3, $0xF;
	v3, _, _ =	vpop (xrf2);
	(xrf2) =	vadd.scan.msk.f32 $0xffff, v2  }
0x77: {  	(xrf0) =	vmin.scan.msk.u32 $0xffff, v1;
	(v2sf) =	vpush v3, $0xF;
	v2, _, _ =	vpop (xrf2)  }
0x78: {  	(v2sf) =	vpush v2, $0xF;
	v1, _, _ =	vpop (xrf2)  }
0x79: {  	v2 =	vsel vm3, $0x0, v6;
	(v2sf) =	vpush v1, $0xF;
	v1, _, _ =	vpop (xrf2)  }
0x7a: {  	(xrf2) =	vadd.scan.msk.f32 $0xffff, v2;
	v2 =	vsel vm4, $0x0, v6;
	(v2sf) =	vpush v1, $0xF;
	v1, _, _ =	vpop (xrf2)  }
0x7b: {  	(xrf2) =	vadd.scan.msk.f32 $0xffff, v2;
	(v2sf) =	vpush v1, $0xF;
	v1 =	vsel vm1, $0x0, v63  }
0x7c: {  	(xrf2) =	vadd.scan.msk.f32 $0xffff, v1;
	v1 =	vsel vm2, $0x0, v63  }
0x7d: {  	(v2sf) =	vpush v7, $0xF;
	v2, _, _ =	vpop (xrf0);
	(xrf2) =	vadd.scan.msk.f32 $0xffff, v1  }
0x7e: {  	(v2sf) =	vpush v2, $0xF  }
0x7f: {  	v1, _, _ =	vpop (xrf2)  }
0x80: {  	(v2sf) =	vpush v1, $0xF;
	_ =	sdelay $0x1  }
0x81: {  	s24 =	spop (v2sf);
	v2, _, _ =	vpop (xrf2)  }
0x82: {  	s25 =	spop (v2sf);
	v1, _, _ =	vpop (xrf2);
	(v2sf) =	vpush v2, $0xF  }
0x83: {  	(v2sf) =	vpush v1, $0xF;
	s26 =	spop (v2sf);
	v1, _, _ =	vpop (xrf2)  }
0x84: {  	s23 =	sshra.s32 s25, $0x7;
	v2, _, _ =	vpop (xrf2);
	(v2sf) =	vpush v1, $0xF;
	s28 =	spop (v2sf)  }
0x85: {  	s22 =	sxor.u32 $0xFF000000, s23;
	(v2sf) =	vpush v2, $0xF;
	s29 =	spop (v2sf);
	v1, _, _ =	vpop (xrf2)  }
0x86: {  	s30 =	scvt.s32.f32 s22;
	s23 =	spop (v2sf);
	(v2sf) =	vpush v1, $0xF;
	v1, _, _ =	vpop (xrf2)  }
0x87: {  	s25 =	sand.u32 $0x7F, s25;
	s22 =	spop (v2sf);
	s28 =	sadd.f32 s28, s23;
	(v2sf) =	vpush v1, $0xF  }
0x88: {  	s25 =	scvt.s32.f32 s25;
	s29 =	sadd.f32 s29, s22  }
0x89: {  	s31 =	spop (v2sf);
	s28 =	ssub.f32 s28, s30  }
0x8a: {  	p0 =	seq.s32 s19, $0xF;
	s0 =	spop (v2sf);
	s25 =	ssub.f32 s29, s25  }
0x8b: {  	s1 =	sshll.u32 @!p0 s19, $0x10;
	s30 =	spop (v2sf);
	s28 =	ssub.f32 s28, s31  }
0x8c: {  	s1 =	sadd.s32 @!p0 s1, s8;
	s31 =	spop (v2sf)  }
0x8d: {  	s1 =	sshrl.u32 @!p0 s1, $0x3;
	s0 =	ssub.f32 s25, s0;
	s28 =	smul.f32 s28, s28  }
0x8e: {  	s1 =	sadd.s32 @!p0 s2, s1;
	s29 =	spop (v2sf)  }
0x8f: {  	s0 =	smul.f32 s0, s0;
	s26 =	sadd.f32 s28, s26;
	s28 =	simm.s32 @!p0 $0x0  }
0x90: {  	[tilespmem:s28], [sflag:$0x1] =	stream.linear.gather @!p0 [hbm4b:s1+s28], $0x8000, $0x38;
	[tilespmem:$0x105B0] =	vst v63  }
0x91: {  	s11 =	spop (v2sf);
	s28 =	sshra.s32 s31, $0x7  }
0x92: {  	s25 =	spop (v2sf);
	s0 =	sadd.f32 s26, s0;
	s28 =	sxor.u32 $0xFF000000, s28  }
0x93: {  	s1 =	spop (v2sf);
	s26 =	scvt.s32.f32 s28  }
0x94: {  	s13 =	spop (v2sf);
	s11 =	sadd.f32 s11, s1  }
0x95: {  	s28 =	spop (v2sf)  }
0x96: {  	s11 =	ssub.f32 s11, s26;
	s26 =	spop (v2sf)  }
0x97: {  	_ =	swait.ge [sflag:s16], $0x8000  }
0x98: {  	s31 =	sand.u32 $0x7F, s31;
	[sflag:s16] =	ssyncset.done $0x0  }
0x99: {  	s11 =	ssub.f32 s11, s28;
	s28 =	simm.s32 $0x8040;
	[sflag:s16] =	ssyncadd.s32 $0xFFFF8000  }
0x9a: {  	s31 =	scvt.s32.f32 s31;
	s25 =	sadd.f32 s25, s13;
	v1 =	vld [tilespmem:s28+$0xFFFFFFC0]  }
0x9b: {  	s24 =	ssub.f32 $1.000000000e+00, s24  }
0x9c: {  	s25 =	ssub.f32 s25, s31;
	v2 =	vld [tilespmem:s28+$0xFFFFFFD0]  }
0x9d: {  	s24 =	smul.f32 s24, s24;
	s30 =	ssub.f32 $1.000000000e+00, s30  }
0x9e: {  	v3 =	vimm.f32 $-Inf;
	s26 =	ssub.f32 s25, s26;
	s11 =	smul.f32 s11, s11;
	v4 =	vld [tilespmem:s28+$0xFFFFFFE0]  }
0x9f: {  	p0 =	sgt.f32 s22, $0.0e+00;
	s0 =	sadd.f32 s0, s24;
	vm5 =	vgt.f32 v1, v3  }
0xa0: {  	s24 =	smul.f32 s26, s26;
	s11 =	sadd.f32 s11, s29;
	v1 =	vsel vm5, v1, v3;
	v3 =	vld [tilespmem:s28+$0xFFFFFFF0]  }
0xa1: {  	p1 =	sgt.f32 s23, $0.0e+00;
	s0 =	simm.s32 @!p0 $0x0;
	p0 =	slt.f32 s23, $1.280000000e+02;
	vm6 =	vgt.f32 v2, v1  }
0xa2: {  	s31 =	smul.f32 s30, s30;
	s11 =	sadd.f32 s11, s24;
	v2 =	vsel vm6, v2, v1  }
0xa3: {  	s0 =	simm.s32 @!p1 $0x0;
	p1 =	slt.f32 s22, $1.280000000e+02;
	v5 =	vld [tilespmem:s28+$0x0];
	v1 =	vlaneseq.u32;
	vm7 =	vgt.f32 v4, v2  }
0xa4: {  	s0 =	simm.s32 @!p0 $0x0;
	p0 =	sgt.f32 s13, $0.0e+00;
	s11 =	sadd.f32 s11, s31;
	v6 =	vsel vm5, v1, v1;
	v7 =	vadd.s32 $0x10, v1;
	v4 =	vsel vm7, v4, v2  }
0xa5: {  	s0 =	simm.s32 @!p1 $0x0;
	p1 =	sgt.f32 s1, $0.0e+00;
	v2 =	vld [tilespmem:s28+$0x10];
	v6 =	vsel vm6, v7, v6;
	v7 =	vadd.s32 $0x20, v1;
	vm5 =	vgt.f32 v3, v4  }
0xa6: {  	p2 =	slt.f32 s1, $1.280000000e+02;
	s11 =	simm.s32 @!p0 $0x0;
	v3 =	vsel vm5, v3, v4;
	v4 =	vsel vm7, v7, v6;
	v6 =	vadd.s32 $0x30, v1  }
0xa7: {  	p0 =	slt.f32 s13, $1.280000000e+02;
	s11 =	simm.s32 @!p1 $0x0;
	v6 =	vsel vm5, v6, v4;
	v4 =	vld [tilespmem:s28+$0x20]  }
0xa8: {  	s0 =	sadd.f32 s0, s21;
	s11 =	simm.s32 @!p2 $0x0;
	vm6 =	vgt.f32 v5, v3  }
0xa9: {  	s11 =	simm.s32 @!p0 $0x0;
	v7 =	vadd.s32 $0x40, v1;
	v5 =	vsel vm6, v5, v3;
	v3 =	vld [tilespmem:s28+$0x30]  }
0xaa: {  	s23 =	simm.s32 $0x80C0;
	s22 =	simm.s32 $0x0;
	s21 =	sadd.f32 s11, s0;
	v6 =	vsel vm6, v7, v6;
	v7 =	vadd.s32 $0x50, v1;
	vm5 =	vgt.f32 v2, v5  }
.LBB2_7:
0xab: {  	v8 =	vld [tilespmem:s23+$0xFFFFFFC0];
	s22 =	sadd.s32 $0x8, s22;
	v2 =	vsel vm5, v2, v5;
	v5 =	vsel vm5, v7, v6  }
0xac: {  	v6 =	vadd.s32 $0x60, v1;
	p0 =	slt.u32 s22, $0x3F8;
	vm5 =	vgt.f32 v4, v2  }
0xad: {  	v7 =	vld [tilespmem:s23+$0xFFFFFFD0];
	v2 =	vsel vm5, v4, v2;
	v4 =	vsel vm5, v6, v5  }
0xae: {  	v5 =	vadd.s32 $0x70, v1;
	vm5 =	vgt.f32 v3, v2  }
0xaf: {  	v6 =	vld [tilespmem:s23+$0xFFFFFFE0];
	v2 =	vsel vm5, v3, v2;
	v3 =	vsel vm5, v5, v4  }
0xb0: {  	v1 =	vadd.s32 $0x80, v1;
	vm5 =	vgt.f32 v8, v2  }
0xb1: {  	v2 =	vsel vm5, v8, v2;
	v3 =	vsel vm5, v1, v3;
	v4 =	vld [tilespmem:s23+$0xFFFFFFF0]  }
0xb2: {  	v5 =	vadd.s32 $0x10, v1;
	vm5 =	vgt.f32 v7, v2  }
0xb3: {  	v2 =	vsel vm5, v7, v2;
	v3 =	vsel vm5, v5, v3;
	v5 =	vld [tilespmem:s23+$0x0]  }
0xb4: {  	v7 =	vadd.s32 $0x20, v1;
	vm5 =	vgt.f32 v6, v2  }
0xb5: {  	v6 =	vsel vm5, v6, v2;
	v3 =	vsel vm5, v7, v3;
	v2 =	vld [tilespmem:s23+$0x10]  }
.Ltmp2:
0xb6: {  	v7 =	vadd.s32 $0x30, v1;
	vm5 =	vgt.f32 v4, v6;
	(pc) =	sbr.rel @p0 .LBB2_7-.Ltmp2, $4  }
0xb7: {  	v6 =	vsel vm5, v4, v6;
	v3 =	vsel vm5, v7, v3;
	v4 =	vld [tilespmem:s23+$0x20]  }
0xb8: {  	v7 =	vadd.s32 $0x40, v1;
	vm5 =	vgt.f32 v5, v6  }
0xb9: {  	v5 =	vsel vm5, v5, v6;
	v6 =	vsel vm5, v7, v3;
	v3 =	vld [tilespmem:s23+$0x30]  }
0xba: {  	v7 =	vadd.s32 $0x50, v1;
	s23 =	sadd.s32 $0x80, s23;
	vm5 =	vgt.f32 v2, v5  }
0xbb: {  	s0 =	simm.s32 $0xC070  }
0xbc: {  	v8 =	vld [tilespmem:s0+$0xFFFFFF90];
	_ =	sdelay $0x1  }
0xbd: {  	v9 =	vld [tilespmem:s0+$0xFFFFFFA0];
	_ =	sdelay $0x1  }
0xbe: {  	v10 =	vimm.f32 $-Inf;
	v2 =	vsel vm5, v2, v5  }
0xbf: {  	v5 =	vsel vm5, v7, v6;
	v11 =	vld [tilespmem:s0+$0xFFFFFFB0];
	vm5 =	vgt.f32 v4, v2;
	vm6 =	vgt.f32 v8, v10  }
0xc0: {  	v2 =	vsel vm5, v4, v2;
	v6 =	vsel vm6, v8, v10  }
0xc1: {  	v7 =	vld [tilespmem:s0+$0xFFFFFFC0];
	v8 =	vadd.s32 $0x60, v1;
	v1 =	vadd.s32 $0x70, v1;
	vm7 =	vgt.f32 v9, v6  }
0xc2: {  	v5 =	vsel vm5, v8, v5;
	vm5 =	vgt.f32 v3, v2;
	v6 =	vsel vm7, v9, v6  }
0xc3: {  	v8 =	vld [tilespmem:s0+$0xFFFFFFD0];
	v4 =	vsel vm5, v3, v2;
	v5 =	vsel vm5, v1, v5;
	v1 =	vlaneseq.u32  }
0xc4: {  	vm8 =	vgt.f32 v11, v6;
	v3 =	vsel vm6, v1, v1;
	v9 =	vadd.s32 $0x10, v1  }
0xc5: {  	v10 =	vadd.s32 $0x20, v1;
	v2 =	vsel vm8, v11, v6;
	v6 =	vld [tilespmem:s0+$0xFFFFFFE0];
	v9 =	vsel vm7, v9, v3  }
0xc6: {  	s20 =	smul.u32 $0x16, s20;
	vm5 =	vgt.f32 v7, v2;
	v9 =	vsel vm8, v10, v9;
	v10 =	vadd.s32 $0x30, v1  }
0xc7: {  	v7 =	vsel vm5, v7, v2;
	v10 =	vsel vm5, v10, v9;
	v9 =	vld [tilespmem:s0+$0xFFFFFFF0]  }
0xc8: {  	v3 =	vld [tilespmem:s20+$0x102D0];
	vm6 =	vgt.f32 v8, v7  }
0xc9: {  	v12 =	vadd.s32 $0x40, v1;
	v11 =	vsel vm6, v8, v7;
	v8 =	vld [tilespmem:s0+$0x0]  }
0xca: {  	s22 =	simm.s32 $0x0;
	s23 =	simm.s32 $0xC0F0;
	v2 =	vld [tilespmem:s20+$0x10000];
	v7 =	vsel vm6, v12, v10;
	v10 =	vadd.s32 $0x50, v1;
	vm5 =	vgt.f32 v6, v11  }
.LBB2_9:
0xcb: {  	v12 =	vld [tilespmem:s23+$0xFFFFFF90];
	s22 =	sadd.s32 $0x8, s22;
	v6 =	vsel vm5, v6, v11;
	v7 =	vsel vm5, v10, v7  }
0xcc: {  	v10 =	vadd.s32 $0x60, v1;
	p0 =	slt.u32 s22, $0x3F8;
	vm5 =	vgt.f32 v9, v6  }
0xcd: {  	v11 =	vld [tilespmem:s23+$0xFFFFFFA0];
	v6 =	vsel vm5, v9, v6;
	v7 =	vsel vm5, v10, v7  }
0xce: {  	v9 =	vadd.s32 $0x70, v1;
	vm5 =	vgt.f32 v8, v6  }
0xcf: {  	v10 =	vld [tilespmem:s23+$0xFFFFFFB0];
	v6 =	vsel vm5, v8, v6;
	v7 =	vsel vm5, v9, v7  }
0xd0: {  	v1 =	vadd.s32 $0x80, v1;
	vm5 =	vgt.f32 v12, v6  }
0xd1: {  	v6 =	vsel vm5, v12, v6;
	v7 =	vsel vm5, v1, v7;
	v8 =	vld [tilespmem:s23+$0xFFFFFFC0]  }
0xd2: {  	v9 =	vadd.s32 $0x10, v1;
	vm5 =	vgt.f32 v11, v6  }
0xd3: {  	v6 =	vsel vm5, v11, v6;
	v7 =	vsel vm5, v9, v7;
	v11 =	vld [tilespmem:s23+$0xFFFFFFD0]  }
0xd4: {  	v9 =	vadd.s32 $0x20, v1;
	vm5 =	vgt.f32 v10, v6  }
0xd5: {  	v10 =	vsel vm5, v10, v6;
	v7 =	vsel vm5, v9, v7;
	v6 =	vld [tilespmem:s23+$0xFFFFFFE0]  }
.Ltmp3:
0xd6: {  	v9 =	vadd.s32 $0x30, v1;
	vm5 =	vgt.f32 v8, v10;
	(pc) =	sbr.rel @p0 .LBB2_9-.Ltmp3, $4  }
0xd7: {  	v8 =	vsel vm5, v8, v10;
	v7 =	vsel vm5, v9, v7;
	v9 =	vld [tilespmem:s23+$0xFFFFFFF0]  }
0xd8: {  	v10 =	vadd.s32 $0x40, v1;
	vm5 =	vgt.f32 v11, v8  }
0xd9: {  	v11 =	vsel vm5, v11, v8;
	v7 =	vsel vm5, v10, v7;
	v8 =	vld [tilespmem:s23+$0x0]  }
0xda: {  	v10 =	vadd.s32 $0x50, v1;
	s23 =	sadd.s32 $0x80, s23;
	vm5 =	vgt.f32 v6, v11  }
0xdb: {  	(xrf0) =	vmax.scan.msk.f32 $0xffff, v4;
	_ =	sdelay $0x4  }
0xdc: {  	v14 =	vsub.f32 v2, v3  }
0xdd: {  	v12, _, _ =	vpop (xrf0)  }
0xde: {  	v51 =	vmul.f32 v14, v14;
	v13 =	vbroadcast v12, $0xF  }
0xdf: {  	v50 =	vxor.u32 $0x80000000, v5  }
0xe0: {  	v6 =	vsel vm5, v6, v11;
	v52 =	vnsel vm0, $0x0, v51;
	vm6 =	veq.f32 v4, v13  }
0xe1: {  	v54 =	vsel vm1, $0x0, v3;
	v55 =	vld [tilespmem:s20+$0x102DB];
	(xrf2) =	vadd.scan.msk.f32 $0xffff, v52;
	v4 =	vnsel vm6, $0x80004000, v50;
	vm6 =	vgt.f32 v9, v6  }
0xe2: {  	v56 =	vsel vm2, $0x0, v3;
	v57 =	vld [tilespmem:s20+$0x1000B];
	(xrf2) =	vadd.scan.msk.f32 $0xffff, v54;
	v53 =	vsel vm6, v9, v6  }
0xe3: {  	(xrf2) =	vadd.scan.msk.f32 $0xffff, v56;
	vm7 =	vgt.f32 v8, v53  }
0xe4: {  	(xrf0) =	vmin.scan.msk.u32 $0xffff, v4;
	v5 =	vsel vm7, v8, v53  }
0xe5: {  	v58 =	vsel vm3, $0x0, v3;
	(xrf0) =	vmax.scan.msk.f32 $0xffff, v5  }
0xe6: {  	v3 =	vsel vm4, $0x0, v3;
	(xrf2) =	vadd.scan.msk.f32 $0xffff, v58  }
0xe7: {  	v59 =	vsub.f32 v57, v55;
	(xrf2) =	vadd.scan.msk.f32 $0xffff, v3;
	v3 =	vsel vm1, $0x0, v2  }
0xe8: {  	v2 =	vsel vm2, $0x0, v2;
	(xrf2) =	vadd.scan.msk.f32 $0xffff, v3  }
0xe9: {  	(xrf2) =	vadd.scan.msk.f32 $0xffff, v2;
	v2 =	vmul.f32 v59, v59  }
0xea: {  	v7 =	vsel vm5, v10, v7;
	v60 =	vadd.s32 $0x60, v1;
	v3, _, _ =	vpop (xrf0)  }
0xeb: {  	v1 =	vadd.s32 $0x70, v1;
	v61 =	vsel vm6, v60, v7;
	v2 =	vnsel vm0, $0x0, v2;
	v62, _, _ =	vpop (xrf0)  }
0xec: {  	(v2sf) =	vpush v12, $0xF;
	v1 =	vsel vm7, v1, v61;
	v63 =	vbroadcast v62, $0xF  }
0xed: {  	v1 =	vxor.u32 $0x80000000, v1;
	(v2sf) =	vpush v3, $0xF;
	v3, _, _ =	vpop (xrf2)  }
0xee: {  	(xrf2) =	vadd.scan.msk.f32 $0xffff, v2;
	(v2sf) =	vpush v3, $0xF;
	v2, _, _ =	vpop (xrf2);
	v3 =	vsel vm1, $0x0, v55;
	vm5 =	veq.f32 v5, v63  }
0xef: {  	(v2sf) =	vpush v2, $0xF;
	v2, _, _ =	vpop (xrf2);
	(xrf2) =	vadd.scan.msk.f32 $0xffff, v3;
	v1 =	vnsel vm5, $0x80004000, v1  }
0xf0: {  	(v2sf) =	vpush v2, $0xF;
	v2, _, _ =	vpop (xrf2);
	(xrf0) =	vmin.scan.msk.u32 $0xffff, v1;
	v1 =	vsel vm2, $0x0, v55  }
0xf1: {  	(v2sf) =	vpush v2, $0xF;
	_ =	sdelay $0x1  }
0xf2: {  	v2 =	vsel vm3, $0x0, v55;
	(xrf2) =	vadd.scan.msk.f32 $0xffff, v1;
	v1, _, _ =	vpop (xrf2)  }
0xf3: {  	(xrf2) =	vadd.scan.msk.f32 $0xffff, v2;
	v2 =	vsel vm4, $0x0, v55;
	(v2sf) =	vpush v1, $0xF;
	v1, _, _ =	vpop (xrf2)  }
0xf4: {  	(xrf2) =	vadd.scan.msk.f32 $0xffff, v2;
	(v2sf) =	vpush v1, $0xF;
	v1, _, _ =	vpop (xrf2)  }
0xf5: {  	(v2sf) =	vpush v1, $0xF  }
0xf6: {  	v2 =	vsel vm1, $0x0, v57;
	v1, _, _ =	vpop (xrf0);
	(v2sf) =	vpush v62, $0xF  }
0xf7: {  	(v2sf) =	vpush v1, $0xF;
	v1, _, _ =	vpop (xrf2);
	(xrf2) =	vadd.scan.msk.f32 $0xffff, v2  }
0xf8: {  	(v2sf) =	vpush v1, $0xF;
	v1 =	vsel vm2, $0x0, v57  }
0xf9: {  	v2, _, _ =	vpop (xrf2);
	(xrf2) =	vadd.scan.msk.f32 $0xffff, v1  }
0xfa: {  	s0 =	spop (v2sf)  }
0xfb: {  	s1 =	spop (v2sf)  }
0xfc: {  	s11 =	spop (v2sf);
	(v2sf) =	vpush v2, $0xF;
	v1, _, _ =	vpop (xrf2)  }
0xfd: {  	s13 =	spop (v2sf);
	(v2sf) =	vpush v1, $0xF;
	v1, _, _ =	vpop (xrf2)  }
0xfe: {  	s26 =	sshra.s32 s1, $0x7;
	s22 =	spop (v2sf);
	v2, _, _ =	vpop (xrf2);
	(v2sf) =	vpush v1, $0xF  }
0xff: {  	s20 =	sxor.u32 $0xFF000000, s26;
	s23 =	spop (v2sf);
	(v2sf) =	vpush v2, $0xF  }
0x100: {  	s1 =	sand.u32 $0x7F, s1;
	s20 =	scvt.s32.f32 s20;
	s13 =	sadd.f32 s13, s23  }
0x101: {  	s1 =	scvt.s32.f32 s1;
	v1, _, _ =	vpop (xrf2)  }
0x102: {  	s13 =	ssub.f32 s13, s20;
	s24 =	spop (v2sf);
	(v2sf) =	vpush v1, $0xF  }
0x103: {  	s28 =	spop (v2sf);
	v1, _, _ =	vpop (xrf2);
	s22 =	sadd.f32 s22, s24  }
0x104: {  	(v2sf) =	vpush v1, $0xF;
	s13 =	ssub.f32 s13, s28  }
0x105: {  	s25 =	spop (v2sf);
	s1 =	ssub.f32 s22, s1  }
0x106: {  	s26 =	spop (v2sf)  }
0x107: {  	s13 =	smul.f32 s13, s13;
	s1 =	ssub.f32 s1, s25  }
0x108: {  	s0 =	ssub.f32 $1.000000000e+00, s0;
	s29 =	spop (v2sf)  }
0x109: {  	s11 =	sadd.f32 s13, s11;
	s1 =	smul.f32 s1, s1  }
0x10a: {  	s0 =	smul.f32 s0, s0;
	s22 =	spop (v2sf);
	s28 =	sshra.s32 s29, $0x7  }
0x10b: {  	s30 =	spop (v2sf);
	s28 =	sxor.u32 $0xFF000000, s28;
	s1 =	sadd.f32 s11, s1  }
0x10c: {  	s28 =	scvt.s32.f32 s28;
	s31 =	spop (v2sf)  }
0x10d: {  	s11 =	spop (v2sf);
	s0 =	sadd.f32 s1, s0  }
0x10e: {  	s20 =	sand.u32 $0x7F, s29;
	s1 =	spop (v2sf);
	s25 =	sadd.f32 s30, s11  }
0x10f: {  	s20 =	scvt.s32.f32 s20;
	s13 =	sadd.f32 s31, s1  }
0x110: {  	s25 =	ssub.f32 s25, s28  }
0x111: {  	s13 =	ssub.f32 s13, s20;
	s28 =	spop (v2sf)  }
0x112: {  	s20 =	ssub.f32 s25, s28  }
0x113: {  	s29 =	spop (v2sf)  }
0x114: {  	s13 =	ssub.f32 s13, s29;
	s20 =	smul.f32 s20, s20  }
0x115: {  	p0 =	sgt.f32 s24, $0.0e+00;
	s30 =	ssub.f32 $1.000000000e+00, s26  }
0x116: {  	s20 =	sadd.f32 s20, s22;
	s13 =	smul.f32 s13, s13  }
0x117: {  	p1 =	sgt.f32 s23, $0.0e+00;
	s0 =	simm.s32 @!p0 $0x0;
	p0 =	slt.f32 s23, $1.280000000e+02  }
0x118: {  	s31 =	smul.f32 s30, s30;
	s13 =	sadd.f32 s20, s13  }
0x119: {  	s0 =	simm.s32 @!p1 $0x0;
	p1 =	slt.f32 s24, $1.280000000e+02  }
0x11a: {  	s0 =	simm.s32 @!p0 $0x0;
	p0 =	sgt.f32 s1, $0.0e+00;
	s13 =	sadd.f32 s13, s31  }
0x11b: {  	s0 =	simm.s32 @!p1 $0x0;
	p1 =	sgt.f32 s11, $0.0e+00  }
0x11c: {  	p2 =	slt.f32 s11, $1.280000000e+02;
	s13 =	simm.s32 @!p0 $0x0  }
0x11d: {  	p0 =	slt.f32 s1, $1.280000000e+02;
	s13 =	simm.s32 @!p1 $0x0  }
0x11e: {  	s19 =	sadd.s32 $0x1, s19;
	s13 =	simm.s32 @!p2 $0x0  }
0x11f: {  	s13 =	simm.s32 @!p0 $0x0;
	p0 =	sne.s32 s19, $0x10  }
.Ltmp4:
0x120: {  	_ = 	snop;
	(pc) =	sbr.rel @p0 .LBB2_2-.Ltmp4, $3  }
0x121: {  	_ = 	snop  }
0x122: {  	s0 =	sadd.f32 s0, s21;
	_ =	sdelay $0x1  }
0x123: {  	s21 =	sadd.f32 s13, s0  }
0x124: {  	s18 =	sadd.s32 $0x1, s18  }
0x125: {  	v1 =	vmov s21;
	p0 =	sne.s32 s18, s10  }
.Ltmp5:
0x126: {  	[tilespmem:$0x105A0] =	vst v1;
	(pc) =	sbr.rel @p0 .LBB2_1-.Ltmp5, $4  }
0x127: {  	[hbm4b:s9+s3] =	stream.linear.scatter [tilespmem:s17], [sflag:$0x3], $0x10, $0x38;
	[tilespmem:$0x105B0] =	vst v63  }
0x128: {  	_ =	swait.ge [sflag:s12], $0x10  }
0x129: {  	[sflag:s12] =	ssyncset.done $0x0  }
0x12a: {  	[sflag:s12] =	ssyncadd.s32 $0xFFFFFFF0  }
0x12b: {  	_ =	sfence.sel $0x180000  }
0x12c: {  	[bflag:$0x0] =	sbarrier.arrive $0xFFFF  }
0x12d: {  	_ =	strace $0x90000047  }
0x12e: {  	s0 =	stileid.u32;
	[bflag:$0x2] =	sbarrier.arrive $0xFFFF  }
0x12f: {  	p0 =	sne.s32 s0, $0x0;
	s0 =	rddreg [dreg:$0x2]  }
0x130: {  	s0 =	sadd.s32 @!p0 $0x100000, s0  }
0x131: {  	[sflag:s0] =	ssyncadd.tile.s32 @!p0 $0x1;
	_ =	shalt  }
.Lfunc_end2:
_tile_overlayer_lowered:
.L_overlay_start_2:
0x132: {  	(tag) =	ssettag $0x2  }
0x133: {  	s0 =	rddreg [dreg:$0x0];
	s2 =	stileid.u32  }
0x134: {  	s1 =	rddreg [dreg:$0x1];
	p0 =	sne.s32 s2, $0x0  }
0x135: {  	s3 =	rddreg [dreg:$0x2];
	[bflag:$0x3] =	sbarrier.arrive $0xFFFF;
	s2 =	simm.s32 @!p0 $0x1C03  }
0x136: {  	[timem:s3], [sflag:s2] =	dma.local @!p0 [hbm:s0], s1  }
0x137: {  	s0 =	simm.s32 @!p0 $0x3  }
0x138: {  	_ =	swait.ge @!p0 [sflag:s0], s1  }
0x139: {  	s1 =	ssub.s32 @!p0 $0x0, s1;
	[sflag:s0] =	ssyncset.done @!p0 $0x0  }
0x13a: {  	[sflag:s0] =	ssyncadd.s32 @!p0 s1  }
0x13b: {  	[bflag:$0x3] =	sbarrier.arrive $0xFFFF  }
0x13c: {  	_ =	shalt  }

</sc_bundles>
